<compile_context>
chip_gen: v7x
topology: tpu7x:2x2x1
jax: 0.10.2.dev20260603
libtpu: 0.0.44.dev20260713+nightly
codegen_flags: <defaults>
</compile_context>

<pallas_src>
import functools

import jax
import jax.numpy as jnp
from jax import lax
from jax.experimental import pallas as pl
from jax.experimental.pallas import tpu as pltpu
from jax.experimental.pallas import tpu_sc as plsc

_D = 128
_BATCH = 4096
_NNEG = 20
_EPS2 = 1e-16

_NW = 32
_PAIRS = _BATCH * (1 + _NNEG)
_PER_W = _PAIRS // _NW
_CHUNK = 128
_NCHUNK = _PER_W // _CHUNK
_L = 16


def _rsqrt(x):
    i = lax.bitcast_convert_type(x, jnp.int32)
    y = lax.bitcast_convert_type(jnp.int32(0x5F3759DF) - (i >> 1), jnp.float32)
    xh = 0.5 * x
    for _ in range(4):
        y = y * (1.5 - xh * y * y)
    return y


def _sc_body(uidx, vidx, u_tab, v_tab, out,
             idxu_v, idxv_v, ru_v, rv_v, suv_v, suu_v, svv_v, stage_v,
             semu, semv):
    wid = lax.axis_index("s") * 2 + lax.axis_index("c")
    pltpu.sync_copy(uidx.at[wid], idxu_v)
    pltpu.sync_copy(vidx.at[wid], idxv_v)
    lane = lax.iota(jnp.int32, _L)
    m_last = lane == (_L - 1)

    def chunk_body(c, acc):
        cu = pltpu.async_copy(u_tab.at[idxu_v.at[c]], ru_v, semu)
        cv = pltpu.async_copy(v_tab.at[idxv_v.at[c]], rv_v, semv)
        cu.wait()
        cv.wait()

        def pair_body(p, carry):
            uv = jnp.zeros((_L,), jnp.float32)
            uu = jnp.zeros((_L,), jnp.float32)
            vv = jnp.zeros((_L,), jnp.float32)
            for d in range(_D // _L):
                u = ru_v[p, pl.ds(d * _L, _L)]
                v = rv_v[p, pl.ds(d * _L, _L)]
                uv += u * v
                uu += u * u
                vv += v * v
            plsc.store_compressed(suv_v.at[pl.ds(p, _L)], plsc.cumsum(uv), mask=m_last)
            plsc.store_compressed(suu_v.at[pl.ds(p, _L)], plsc.cumsum(uu), mask=m_last)
            plsc.store_compressed(svv_v.at[pl.ds(p, _L)], plsc.cumsum(vv), mask=m_last)
            return carry

        lax.fori_loop(0, _CHUNK, pair_body, 0, unroll=2)

        base0 = wid * _PER_W + c * _CHUNK
        for g in range(_CHUNK // _L):
            suv = suv_v[pl.ds(g * _L, _L)]
            suu = suu_v[pl.ds(g * _L, _L)]
            svv = svv_v[pl.ds(g * _L, _L)]
            cos = suv * _rsqrt(jnp.maximum(suu, _EPS2)) * _rsqrt(jnp.maximum(svv, _EPS2))
            gid = base0 + g * _L + lane
            term = jnp.where(gid < _BATCH, 1.0 - cos,
                             jnp.maximum(cos - 1.0, 0.0))
            acc = acc + term
        return acc

    acc = lax.fori_loop(0, _NCHUNK, chunk_body, jnp.zeros((_L,), jnp.float32))
    stage_v[...] = acc
    pltpu.sync_copy(stage_v, out.at[wid])


_sc_call = functools.partial(
    pl.kernel,
    out_type=jax.ShapeDtypeStruct((_NW, _L), jnp.float32),
    mesh=plsc.VectorSubcoreMesh(core_axis_name="c", subcore_axis_name="s"),
    compiler_params=pltpu.CompilerParams(needs_layout_passes=False),
    scratch_types=[
        pltpu.VMEM((_NCHUNK, _CHUNK), jnp.int32),
        pltpu.VMEM((_NCHUNK, _CHUNK), jnp.int32),
        pltpu.VMEM((_CHUNK, _D), jnp.float32),
        pltpu.VMEM((_CHUNK, _D), jnp.float32),
        pltpu.VMEM((_CHUNK + _L,), jnp.float32),
        pltpu.VMEM((_CHUNK + _L,), jnp.float32),
        pltpu.VMEM((_CHUNK + _L,), jnp.float32),
        pltpu.VMEM((_L,), jnp.float32),
        pltpu.SemaphoreType.DMA,
        pltpu.SemaphoreType.DMA,
    ],
)(_sc_body)


def kernel(U, V, edge, negative_edges):
    edge32 = edge.astype(jnp.int32)
    neg32 = negative_edges.astype(jnp.int32)
    uidx = jnp.concatenate([edge32[:, 0], neg32[..., 0].reshape(-1)])
    vidx = jnp.concatenate([edge32[:, 1], neg32[..., 1].reshape(-1)])
    partials = _sc_call(uidx.reshape(_NW, _NCHUNK, _CHUNK),
                        vidx.reshape(_NW, _NCHUNK, _CHUNK), U, V)
    return -jnp.sum(partials)

# --- scband reference (transcript-rebuilt; emitter-appended) ---
"""Pipeline reference for scband-net-18837726560490 (READ-ONLY COPY).

The authoritative reference and input builder live on the scoring server;
editing this copy changes nothing except your own understanding.
"""

import jax, jax.numpy as jnp
import numpy as np

EMB_SIZE = 100000
EMB_DIM = 128
BATCH = 4096
N_NEG = 20
MARGIN = 1.0
EPS = 1e-8


def setup_inputs(seed: int = 0) -> dict:
    key = jax.random.key(seed)
    k1, k2, k3, k4 = jax.random.split(key, 4)
    initrange = 0.5 / EMB_DIM
    U = jax.random.uniform(k1, (EMB_SIZE, EMB_DIM), minval=-initrange, maxval=initrange, dtype=jnp.float32)
    # Original torch code zero-inits V; we use small uniform to avoid degenerate
    # (all-zero) cosine similarity while keeping the same scale.
    V = jax.random.uniform(k2, (EMB_SIZE, EMB_DIM), minval=-initrange, maxval=initrange, dtype=jnp.float32)
    edge = jax.random.randint(k3, (BATCH, 2), 0, EMB_SIZE, dtype=jnp.int64)
    negative_edges = jax.random.randint(k4, (BATCH, N_NEG, 2), 0, EMB_SIZE, dtype=jnp.int64)
    return {"U": U, "V": V, "edge": edge, "negative_edges": negative_edges}


def _cosine(a, b):
    # matches torch cosine_similarity with eps clamping on norms
    an = jnp.maximum(jnp.linalg.norm(a, axis=-1), EPS)
    bn = jnp.maximum(jnp.linalg.norm(b, axis=-1), EPS)
    return jnp.sum(a * b, axis=-1) / (an * bn)


def reference(U, V, edge, negative_edges):
    # positive edges: CosineEmbeddingLoss with target=+1 -> 1 - cos(u, v)
    emb_u = jnp.take(U, edge[:, 0], axis=0)          # [B, D]
    emb_v = jnp.take(V, edge[:, 1], axis=0)          # [B, D]
    pos_loss = 1.0 - _cosine(emb_u, emb_v)           # [B]
    # negative edges: CosineEmbeddingLoss with target=-1 -> max(0, cos - margin)
    neg_u = jnp.take(U, negative_edges[..., 0], axis=0)   # [B, N_NEG, D]
    neg_v = jnp.take(V, negative_edges[..., 1], axis=0)   # [B, N_NEG, D]
    neg_loss = jnp.maximum(_cosine(neg_u, neg_v) - MARGIN, 0.0)  # [B, N_NEG]
    # original: loss = -1 * sum(scores); batched version sums over batch too
    loss = -(jnp.sum(pos_loss) + jnp.sum(neg_loss))
    return loss

if __name__ == "__main__":
    import jax
    _d = setup_inputs()
    print(jax.jit(kernel)(*tuple(_d.values())))

</pallas_src>

<mosaic_0001>
#map = affine_map<(d0, d1) -> (0, 0, 0)>
#map1 = affine_map<(d0, d1) -> (0, 0)>
module attributes {stable_mosaic.version = 14 : i64} {
  func.func @_sc_body(%arg0: i32, %arg1: i32, %arg2: memref<32x21x128xi32, #tpu.memory_space<hbm>>, %arg3: memref<32x21x128xi32, #tpu.memory_space<hbm>>, %arg4: memref<100000x128xf32, #tpu.memory_space<hbm>>, %arg5: memref<100000x128xf32, #tpu.memory_space<hbm>>, %arg6: memref<32x16xf32, #tpu.memory_space<hbm>>, %arg7: memref<21x128xi32, #tpu.memory_space<vmem>>, %arg8: memref<21x128xi32, #tpu.memory_space<vmem>>, %arg9: memref<128x128xf32, #tpu.memory_space<vmem>>, %arg10: memref<128x128xf32, #tpu.memory_space<vmem>>, %arg11: memref<144xf32, #tpu.memory_space<vmem>>, %arg12: memref<144xf32, #tpu.memory_space<vmem>>, %arg13: memref<144xf32, #tpu.memory_space<vmem>>, %arg14: memref<16xf32, #tpu.memory_space<vmem>>, %arg15: memref<!tpu.dma_semaphore, #tpu.memory_space<semaphore_mem>>, %arg16: memref<!tpu.dma_semaphore, #tpu.memory_space<semaphore_mem>>) attributes {dimension_semantics = [#tpu.dimension_semantics<core_parallel>, #tpu.dimension_semantics<subcore_parallel>], iteration_bounds = array<i64: 2, 16>, scalar_prefetch = 0 : i64, scratch_operands = 10 : i64, tpu.core_type = #tpu.core_type<sc_vector_subcore>, window_params = [{transform_indices = #map}, {transform_indices = #map}, {transform_indices = #map1}, {transform_indices = #map1}, {transform_indices = #map1}]} {
    %mul3A = arith.constant 2 : i32
    %mul3A_0 = arith.muli %arg1, %mul3A : i32
    %add3A = arith.addi %mul3A_0, %arg0 : i32
    "tpu.region"() ({
      %run_scoped3A = tpu.sem_alloc : memref<!tpu.dma_semaphore, #tpu.memory_space<semaphore_mem>>
      %dma_start3A = arith.constant 0 : i32
      %dma_start3A_10 = arith.constant 0 : i32
      %dma_start3A_11 = tpu.memref_slice %arg2[%add3A, %dma_start3A, %dma_start3A_10] : memref<32x21x128xi32, #tpu.memory_space<hbm>> -> memref<1x21x128xi32, #tpu.memory_space<hbm>>
      %dma_start3A_12 = tpu.memref_squeeze %dma_start3A_11 : memref<1x21x128xi32, #tpu.memory_space<hbm>> -> memref<21x128xi32, #tpu.memory_space<hbm>>
      %dma_start3A_13 = arith.constant 0 : i32
      %dma_start3A_14 = arith.constant 0 : i32
      %dma_start3A_15 = tpu.memref_slice %arg2[%add3A, %dma_start3A_13, %dma_start3A_14] : memref<32x21x128xi32, #tpu.memory_space<hbm>> -> memref<1x21x128xi32, #tpu.memory_space<hbm>>
      %dma_start3A_16 = tpu.memref_squeeze %dma_start3A_15 : memref<1x21x128xi32, #tpu.memory_space<hbm>> -> memref<21x128xi32, #tpu.memory_space<hbm>>
      tpu.enqueue_dma source(%dma_start3A_16 : memref<21x128xi32, #tpu.memory_space<hbm>>) target(%arg7 : memref<21x128xi32, #tpu.memory_space<vmem>>) target_semaphore(%run_scoped3A : memref<!tpu.dma_semaphore, #tpu.memory_space<semaphore_mem>>)
      %dma_wait3A = arith.constant 0 : i32
      %dma_wait3A_17 = arith.constant 0 : i32
      %dma_wait3A_18 = tpu.memref_slice %arg2[%add3A, %dma_wait3A, %dma_wait3A_17] : memref<32x21x128xi32, #tpu.memory_space<hbm>> -> memref<1x21x128xi32, #tpu.memory_space<hbm>>
      %dma_wait3A_19 = tpu.memref_squeeze %dma_wait3A_18 : memref<1x21x128xi32, #tpu.memory_space<hbm>> -> memref<21x128xi32, #tpu.memory_space<hbm>>
      %dma_wait3A_20 = arith.constant 0 : i32
      %dma_wait3A_21 = arith.constant 0 : i32
      %dma_wait3A_22 = tpu.memref_slice %arg2[%add3A, %dma_wait3A_20, %dma_wait3A_21] : memref<32x21x128xi32, #tpu.memory_space<hbm>> -> memref<1x21x128xi32, #tpu.memory_space<hbm>>
      %dma_wait3A_23 = tpu.memref_squeeze %dma_wait3A_22 : memref<1x21x128xi32, #tpu.memory_space<hbm>> -> memref<21x128xi32, #tpu.memory_space<hbm>>
      tpu.wait_dma2 semaphore(%run_scoped3A : memref<!tpu.dma_semaphore, #tpu.memory_space<semaphore_mem>>) src(%dma_wait3A_23 : memref<21x128xi32, #tpu.memory_space<hbm>>) dst(%arg7 : memref<21x128xi32, #tpu.memory_space<vmem>>)
      tpu.yield
    }) : () -> ()
    "tpu.region"() ({
      %run_scoped3A = tpu.sem_alloc : memref<!tpu.dma_semaphore, #tpu.memory_space<semaphore_mem>>
      %dma_start3A = arith.constant 0 : i32
      %dma_start3A_10 = arith.constant 0 : i32
      %dma_start3A_11 = tpu.memref_slice %arg3[%add3A, %dma_start3A, %dma_start3A_10] : memref<32x21x128xi32, #tpu.memory_space<hbm>> -> memref<1x21x128xi32, #tpu.memory_space<hbm>>
      %dma_start3A_12 = tpu.memref_squeeze %dma_start3A_11 : memref<1x21x128xi32, #tpu.memory_space<hbm>> -> memref<21x128xi32, #tpu.memory_space<hbm>>
      %dma_start3A_13 = arith.constant 0 : i32
      %dma_start3A_14 = arith.constant 0 : i32
      %dma_start3A_15 = tpu.memref_slice %arg3[%add3A, %dma_start3A_13, %dma_start3A_14] : memref<32x21x128xi32, #tpu.memory_space<hbm>> -> memref<1x21x128xi32, #tpu.memory_space<hbm>>
      %dma_start3A_16 = tpu.memref_squeeze %dma_start3A_15 : memref<1x21x128xi32, #tpu.memory_space<hbm>> -> memref<21x128xi32, #tpu.memory_space<hbm>>
      tpu.enqueue_dma source(%dma_start3A_16 : memref<21x128xi32, #tpu.memory_space<hbm>>) target(%arg8 : memref<21x128xi32, #tpu.memory_space<vmem>>) target_semaphore(%run_scoped3A : memref<!tpu.dma_semaphore, #tpu.memory_space<semaphore_mem>>)
      %dma_wait3A = arith.constant 0 : i32
      %dma_wait3A_17 = arith.constant 0 : i32
      %dma_wait3A_18 = tpu.memref_slice %arg3[%add3A, %dma_wait3A, %dma_wait3A_17] : memref<32x21x128xi32, #tpu.memory_space<hbm>> -> memref<1x21x128xi32, #tpu.memory_space<hbm>>
      %dma_wait3A_19 = tpu.memref_squeeze %dma_wait3A_18 : memref<1x21x128xi32, #tpu.memory_space<hbm>> -> memref<21x128xi32, #tpu.memory_space<hbm>>
      %dma_wait3A_20 = arith.constant 0 : i32
      %dma_wait3A_21 = arith.constant 0 : i32
      %dma_wait3A_22 = tpu.memref_slice %arg3[%add3A, %dma_wait3A_20, %dma_wait3A_21] : memref<32x21x128xi32, #tpu.memory_space<hbm>> -> memref<1x21x128xi32, #tpu.memory_space<hbm>>
      %dma_wait3A_23 = tpu.memref_squeeze %dma_wait3A_22 : memref<1x21x128xi32, #tpu.memory_space<hbm>> -> memref<21x128xi32, #tpu.memory_space<hbm>>
      tpu.wait_dma2 semaphore(%run_scoped3A : memref<!tpu.dma_semaphore, #tpu.memory_space<semaphore_mem>>) src(%dma_wait3A_23 : memref<21x128xi32, #tpu.memory_space<hbm>>) dst(%arg8 : memref<21x128xi32, #tpu.memory_space<vmem>>)
      tpu.yield
    }) : () -> ()
    %iota3A = tpu.iota {dimensions = array<i32: 0>} : vector<16xi32>
    %eq3A = arith.constant 15 : i32
    %eq3A_1 = vector.broadcast %eq3A : i32 to vector<16xi32>
    %eq3A_2 = arith.cmpi eq, %iota3A, %eq3A_1 : vector<16xi32>
    %broadcast_in_dim3A = arith.constant 0.000000e+00 : f32
    %broadcast_in_dim3A_3 = vector.broadcast %broadcast_in_dim3A : f32 to vector<16xf32>
    %scan3A = arith.constant 0 : i32
    %scan3A_4 = arith.constant 21 : i32
    %scan3A_5 = arith.addi %scan3A, %scan3A_4 : i32
    %scan3A_6 = arith.constant 1 : i32
    %scan3A_7 = scf.for %scan3A_10 = %scan3A to %scan3A_5 step %scan3A_6 iter_args(%scan3A_11 = %broadcast_in_dim3A_3) -> (vector<16xf32>)  : i32 {
      %dma_start3A = arith.constant 0 : i32
      %dma_start3A_12 = tpu.memref_slice %arg7[%scan3A_10, %dma_start3A] : memref<21x128xi32, #tpu.memory_space<vmem>> -> memref<1x128xi32, #tpu.memory_space<vmem>>
      %dma_start3A_13 = tpu.memref_squeeze %dma_start3A_12 : memref<1x128xi32, #tpu.memory_space<vmem>> -> memref<128xi32, #tpu.memory_space<vmem>>
      %dma_start3A_14 = arith.constant 0 : i32
      %dma_start3A_15 = arith.constant 0 : i32
      %dma_start3A_16 = tpu.memref_slice %arg4[%dma_start3A_14, %dma_start3A_15] : memref<100000x128xf32, #tpu.memory_space<hbm>> -> memref<100000x128xf32, #tpu.memory_space<hbm>>
      tpu.enqueue_indirect_dma source(%dma_start3A_16 : memref<100000x128xf32, #tpu.memory_space<hbm>>) target(%arg9 : memref<128x128xf32, #tpu.memory_space<vmem>>) offsets(%dma_start3A_13 : memref<128xi32, #tpu.memory_space<vmem>>) semaphore(%arg15 : memref<!tpu.dma_semaphore, #tpu.memory_space<semaphore_mem>>)
      %dma_start3A_17 = arith.constant 0 : i32
      %dma_start3A_18 = tpu.memref_slice %arg8[%scan3A_10, %dma_start3A_17] : memref<21x128xi32, #tpu.memory_space<vmem>> -> memref<1x128xi32, #tpu.memory_space<vmem>>
      %dma_start3A_19 = tpu.memref_squeeze %dma_start3A_18 : memref<1x128xi32, #tpu.memory_space<vmem>> -> memref<128xi32, #tpu.memory_space<vmem>>
      %dma_start3A_20 = arith.constant 0 : i32
      %dma_start3A_21 = arith.constant 0 : i32
      %dma_start3A_22 = tpu.memref_slice %arg5[%dma_start3A_20, %dma_start3A_21] : memref<100000x128xf32, #tpu.memory_space<hbm>> -> memref<100000x128xf32, #tpu.memory_space<hbm>>
      tpu.enqueue_indirect_dma source(%dma_start3A_22 : memref<100000x128xf32, #tpu.memory_space<hbm>>) target(%arg10 : memref<128x128xf32, #tpu.memory_space<vmem>>) offsets(%dma_start3A_19 : memref<128xi32, #tpu.memory_space<vmem>>) semaphore(%arg16 : memref<!tpu.dma_semaphore, #tpu.memory_space<semaphore_mem>>)
      %dma_wait3A = arith.constant 0 : i32
      %dma_wait3A_23 = tpu.memref_slice %arg7[%scan3A_10, %dma_wait3A] : memref<21x128xi32, #tpu.memory_space<vmem>> -> memref<1x128xi32, #tpu.memory_space<vmem>>
      %dma_wait3A_24 = tpu.memref_squeeze %dma_wait3A_23 : memref<1x128xi32, #tpu.memory_space<vmem>> -> memref<128xi32, #tpu.memory_space<vmem>>
      %dma_wait3A_25 = arith.constant 0 : i32
      %dma_wait3A_26 = arith.constant 0 : i32
      %dma_wait3A_27 = tpu.memref_slice %arg4[%dma_wait3A_25, %dma_wait3A_26] : memref<100000x128xf32, #tpu.memory_space<hbm>> -> memref<100000x128xf32, #tpu.memory_space<hbm>>
      tpu.wait_indirect_dma semaphore(%arg15 : memref<!tpu.dma_semaphore, #tpu.memory_space<semaphore_mem>>) src(%dma_wait3A_27 : memref<100000x128xf32, #tpu.memory_space<hbm>>) dst(%arg9 : memref<128x128xf32, #tpu.memory_space<vmem>>)
      %dma_wait3A_28 = arith.constant 0 : i32
      %dma_wait3A_29 = tpu.memref_slice %arg8[%scan3A_10, %dma_wait3A_28] : memref<21x128xi32, #tpu.memory_space<vmem>> -> memref<1x128xi32, #tpu.memory_space<vmem>>
      %dma_wait3A_30 = tpu.memref_squeeze %dma_wait3A_29 : memref<1x128xi32, #tpu.memory_space<vmem>> -> memref<128xi32, #tpu.memory_space<vmem>>
      %dma_wait3A_31 = arith.constant 0 : i32
      %dma_wait3A_32 = arith.constant 0 : i32
      %dma_wait3A_33 = tpu.memref_slice %arg5[%dma_wait3A_31, %dma_wait3A_32] : memref<100000x128xf32, #tpu.memory_space<hbm>> -> memref<100000x128xf32, #tpu.memory_space<hbm>>
      tpu.wait_indirect_dma semaphore(%arg16 : memref<!tpu.dma_semaphore, #tpu.memory_space<semaphore_mem>>) src(%dma_wait3A_33 : memref<100000x128xf32, #tpu.memory_space<hbm>>) dst(%arg10 : memref<128x128xf32, #tpu.memory_space<vmem>>)
      %scan3A_34 = arith.constant 0 : i32
      %scan3A_35 = arith.constant 0 : i32
      %scan3A_36 = arith.constant 128 : i32
      %scan3A_37 = arith.addi %scan3A_35, %scan3A_36 : i32
      %scan3A_38 = arith.constant 2 : i32
      scf.for %scan3A_854 = %scan3A_35 to %scan3A_37 step %scan3A_38  : i32 {
        %broadcast_in_dim3A_855 = arith.constant 0.000000e+00 : f32
        %broadcast_in_dim3A_856 = vector.broadcast %broadcast_in_dim3A_855 : f32 to vector<16xf32>
        %broadcast_in_dim3A_857 = arith.constant 0.000000e+00 : f32
        %broadcast_in_dim3A_858 = vector.broadcast %broadcast_in_dim3A_857 : f32 to vector<16xf32>
        %broadcast_in_dim3A_859 = arith.constant 0.000000e+00 : f32
        %broadcast_in_dim3A_860 = vector.broadcast %broadcast_in_dim3A_859 : f32 to vector<16xf32>
        %get3A_861 = arith.index_cast %scan3A_854 : i32 to index
        %get3A_862 = arith.constant 0 : index
        %get3A_863 = tpu.vector_load %arg9[%get3A_861, %get3A_862] {strides = array<i32>} : memref<128x128xf32, #tpu.memory_space<vmem>>, vector<16xf32>,
        %get3A_864 = arith.index_cast %scan3A_854 : i32 to index
        %get3A_865 = arith.constant 0 : index
        %get3A_866 = tpu.vector_load %arg10[%get3A_864, %get3A_865] {strides = array<i32>} : memref<128x128xf32, #tpu.memory_space<vmem>>, vector<16xf32>,
        %mul3A_867 = arith.mulf %get3A_863, %get3A_866 : vector<16xf32>
        %add3A_868 = arith.addf %broadcast_in_dim3A_856, %mul3A_867 : vector<16xf32>
        %mul3A_869 = arith.mulf %get3A_863, %get3A_863 : vector<16xf32>
        %add3A_870 = arith.addf %broadcast_in_dim3A_858, %mul3A_869 : vector<16xf32>
        %mul3A_871 = arith.mulf %get3A_866, %get3A_866 : vector<16xf32>
        %add3A_872 = arith.addf %broadcast_in_dim3A_860, %mul3A_871 : vector<16xf32>
        %get3A_873 = arith.index_cast %scan3A_854 : i32 to index
        %get3A_874 = arith.constant 16 : index
        %get3A_875 = tpu.vector_load %arg9[%get3A_873, %get3A_874] {strides = array<i32>} : memref<128x128xf32, #tpu.memory_space<vmem>>, vector<16xf32>,
        %get3A_876 = arith.index_cast %scan3A_854 : i32 to index
        %get3A_877 = arith.constant 16 : index
        %get3A_878 = tpu.vector_load %arg10[%get3A_876, %get3A_877] {strides = array<i32>} : memref<128x128xf32, #tpu.memory_space<vmem>>, vector<16xf32>,
        %mul3A_879 = arith.mulf %get3A_875, %get3A_878 : vector<16xf32>
        %add3A_880 = arith.addf %add3A_868, %mul3A_879 : vector<16xf32>
        %mul3A_881 = arith.mulf %get3A_875, %get3A_875 : vector<16xf32>
        %add3A_882 = arith.addf %add3A_870, %mul3A_881 : vector<16xf32>
        %mul3A_883 = arith.mulf %get3A_878, %get3A_878 : vector<16xf32>
        %add3A_884 = arith.addf %add3A_872, %mul3A_883 : vector<16xf32>
        %get3A_885 = arith.index_cast %scan3A_854 : i32 to index
        %get3A_886 = arith.constant 32 : index
        %get3A_887 = tpu.vector_load %arg9[%get3A_885, %get3A_886] {strides = array<i32>} : memref<128x128xf32, #tpu.memory_space<vmem>>, vector<16xf32>,
        %get3A_888 = arith.index_cast %scan3A_854 : i32 to index
        %get3A_889 = arith.constant 32 : index
        %get3A_890 = tpu.vector_load %arg10[%get3A_888, %get3A_889] {strides = array<i32>} : memref<128x128xf32, #tpu.memory_space<vmem>>, vector<16xf32>,
        %mul3A_891 = arith.mulf %get3A_887, %get3A_890 : vector<16xf32>
        %add3A_892 = arith.addf %add3A_880, %mul3A_891 : vector<16xf32>
        %mul3A_893 = arith.mulf %get3A_887, %get3A_887 : vector<16xf32>
        %add3A_894 = arith.addf %add3A_882, %mul3A_893 : vector<16xf32>
        %mul3A_895 = arith.mulf %get3A_890, %get3A_890 : vector<16xf32>
        %add3A_896 = arith.addf %add3A_884, %mul3A_895 : vector<16xf32>
        %get3A_897 = arith.index_cast %scan3A_854 : i32 to index
        %get3A_898 = arith.constant 48 : index
        %get3A_899 = tpu.vector_load %arg9[%get3A_897, %get3A_898] {strides = array<i32>} : memref<128x128xf32, #tpu.memory_space<vmem>>, vector<16xf32>,
        %get3A_900 = arith.index_cast %scan3A_854 : i32 to index
        %get3A_901 = arith.constant 48 : index
        %get3A_902 = tpu.vector_load %arg10[%get3A_900, %get3A_901] {strides = array<i32>} : memref<128x128xf32, #tpu.memory_space<vmem>>, vector<16xf32>,
        %mul3A_903 = arith.mulf %get3A_899, %get3A_902 : vector<16xf32>
        %add3A_904 = arith.addf %add3A_892, %mul3A_903 : vector<16xf32>
        %mul3A_905 = arith.mulf %get3A_899, %get3A_899 : vector<16xf32>
        %add3A_906 = arith.addf %add3A_894, %mul3A_905 : vector<16xf32>
        %mul3A_907 = arith.mulf %get3A_902, %get3A_902 : vector<16xf32>
        %add3A_908 = arith.addf %add3A_896, %mul3A_907 : vector<16xf32>
        %get3A_909 = arith.index_cast %scan3A_854 : i32 to index
        %get3A_910 = arith.constant 64 : index
        %get3A_911 = tpu.vector_load %arg9[%get3A_909, %get3A_910] {strides = array<i32>} : memref<128x128xf32, #tpu.memory_space<vmem>>, vector<16xf32>,
        %get3A_912 = arith.index_cast %scan3A_854 : i32 to index
        %get3A_913 = arith.constant 64 : index
        %get3A_914 = tpu.vector_load %arg10[%get3A_912, %get3A_913] {strides = array<i32>} : memref<128x128xf32, #tpu.memory_space<vmem>>, vector<16xf32>,
        %mul3A_915 = arith.mulf %get3A_911, %get3A_914 : vector<16xf32>
        %add3A_916 = arith.addf %add3A_904, %mul3A_915 : vector<16xf32>
        %mul3A_917 = arith.mulf %get3A_911, %get3A_911 : vector<16xf32>
        %add3A_918 = arith.addf %add3A_906, %mul3A_917 : vector<16xf32>
        %mul3A_919 = arith.mulf %get3A_914, %get3A_914 : vector<16xf32>
        %add3A_920 = arith.addf %add3A_908, %mul3A_919 : vector<16xf32>
        %get3A_921 = arith.index_cast %scan3A_854 : i32 to index
        %get3A_922 = arith.constant 80 : index
        %get3A_923 = tpu.vector_load %arg9[%get3A_921, %get3A_922] {strides = array<i32>} : memref<128x128xf32, #tpu.memory_space<vmem>>, vector<16xf32>,
        %get3A_924 = arith.index_cast %scan3A_854 : i32 to index
        %get3A_925 = arith.constant 80 : index
        %get3A_926 = tpu.vector_load %arg10[%get3A_924, %get3A_925] {strides = array<i32>} : memref<128x128xf32, #tpu.memory_space<vmem>>, vector<16xf32>,
        %mul3A_927 = arith.mulf %get3A_923, %get3A_926 : vector<16xf32>
        %add3A_928 = arith.addf %add3A_916, %mul3A_927 : vector<16xf32>
        %mul3A_929 = arith.mulf %get3A_923, %get3A_923 : vector<16xf32>
        %add3A_930 = arith.addf %add3A_918, %mul3A_929 : vector<16xf32>
        %mul3A_931 = arith.mulf %get3A_926, %get3A_926 : vector<16xf32>
        %add3A_932 = arith.addf %add3A_920, %mul3A_931 : vector<16xf32>
        %get3A_933 = arith.index_cast %scan3A_854 : i32 to index
        %get3A_934 = arith.constant 96 : index
        %get3A_935 = tpu.vector_load %arg9[%get3A_933, %get3A_934] {strides = array<i32>} : memref<128x128xf32, #tpu.memory_space<vmem>>, vector<16xf32>,
        %get3A_936 = arith.index_cast %scan3A_854 : i32 to index
        %get3A_937 = arith.constant 96 : index
        %get3A_938 = tpu.vector_load %arg10[%get3A_936, %get3A_937] {strides = array<i32>} : memref<128x128xf32, #tpu.memory_space<vmem>>, vector<16xf32>,
        %mul3A_939 = arith.mulf %get3A_935, %get3A_938 : vector<16xf32>
        %add3A_940 = arith.addf %add3A_928, %mul3A_939 : vector<16xf32>
        %mul3A_941 = arith.mulf %get3A_935, %get3A_935 : vector<16xf32>
        %add3A_942 = arith.addf %add3A_930, %mul3A_941 : vector<16xf32>
        %mul3A_943 = arith.mulf %get3A_938, %get3A_938 : vector<16xf32>
        %add3A_944 = arith.addf %add3A_932, %mul3A_943 : vector<16xf32>
        %get3A_945 = arith.index_cast %scan3A_854 : i32 to index
        %get3A_946 = arith.constant 112 : index
        %get3A_947 = tpu.vector_load %arg9[%get3A_945, %get3A_946] {strides = array<i32>} : memref<128x128xf32, #tpu.memory_space<vmem>>, vector<16xf32>,
        %get3A_948 = arith.index_cast %scan3A_854 : i32 to index
        %get3A_949 = arith.constant 112 : index
        %get3A_950 = tpu.vector_load %arg10[%get3A_948, %get3A_949] {strides = array<i32>} : memref<128x128xf32, #tpu.memory_space<vmem>>, vector<16xf32>,
        %mul3A_951 = arith.mulf %get3A_947, %get3A_950 : vector<16xf32>
        %add3A_952 = arith.addf %add3A_940, %mul3A_951 : vector<16xf32>
        %mul3A_953 = arith.mulf %get3A_947, %get3A_947 : vector<16xf32>
        %add3A_954 = arith.addf %add3A_942, %mul3A_953 : vector<16xf32>
        %mul3A_955 = arith.mulf %get3A_950, %get3A_950 : vector<16xf32>
        %add3A_956 = arith.addf %add3A_944, %mul3A_955 : vector<16xf32>
        %broadcast_in_dim3A_957 = arith.constant true
        %broadcast_in_dim3A_958 = vector.broadcast %broadcast_in_dim3A_957 : i1 to vector<16xi1>
        %masked_cumsum3A = tpu.scan <sum>, %add3A_952 masked %broadcast_in_dim3A_958 : vector<16xf32>, vector<16xi1> -> vector<16xf32>
        %swap3A_959 = arith.index_cast %scan3A_854 : i32 to index
        %swap3A_960 = tpu.vector_load %arg11[%swap3A_959] masked %eq3A_2 {strides = array<i32>} : memref<144xf32, #tpu.memory_space<vmem>>, vector<16xf32>, vector<16xi1>
        tpu.vector_store %arg11[%swap3A_959], %masked_cumsum3A masked %eq3A_2 {strides = array<i32>} : memref<144xf32, #tpu.memory_space<vmem>>, vector<16xf32>, vector<16xi1>
        %broadcast_in_dim3A_961 = arith.constant true
        %broadcast_in_dim3A_962 = vector.broadcast %broadcast_in_dim3A_961 : i1 to vector<16xi1>
        %masked_cumsum3A_963 = tpu.scan <sum>, %add3A_954 masked %broadcast_in_dim3A_962 : vector<16xf32>, vector<16xi1> -> vector<16xf32>
        %swap3A_964 = arith.index_cast %scan3A_854 : i32 to index
        %swap3A_965 = tpu.vector_load %arg12[%swap3A_964] masked %eq3A_2 {strides = array<i32>} : memref<144xf32, #tpu.memory_space<vmem>>, vector<16xf32>, vector<16xi1>
        tpu.vector_store %arg12[%swap3A_964], %masked_cumsum3A_963 masked %eq3A_2 {strides = array<i32>} : memref<144xf32, #tpu.memory_space<vmem>>, vector<16xf32>, vector<16xi1>
        %broadcast_in_dim3A_966 = arith.constant true
        %broadcast_in_dim3A_967 = vector.broadcast %broadcast_in_dim3A_966 : i1 to vector<16xi1>
        %masked_cumsum3A_968 = tpu.scan <sum>, %add3A_956 masked %broadcast_in_dim3A_967 : vector<16xf32>, vector<16xi1> -> vector<16xf32>
        %swap3A_969 = arith.index_cast %scan3A_854 : i32 to index
        %swap3A_970 = tpu.vector_load %arg13[%swap3A_969] masked %eq3A_2 {strides = array<i32>} : memref<144xf32, #tpu.memory_space<vmem>>, vector<16xf32>, vector<16xi1>
        tpu.vector_store %arg13[%swap3A_969], %masked_cumsum3A_968 masked %eq3A_2 {strides = array<i32>} : memref<144xf32, #tpu.memory_space<vmem>>, vector<16xf32>, vector<16xi1>
        %scan3A_971 = arith.constant 1 : i32
        %scan3A_972 = arith.addi %scan3A_854, %scan3A_971 : i32
        %broadcast_in_dim3A_973 = arith.constant 0.000000e+00 : f32
        %broadcast_in_dim3A_974 = vector.broadcast %broadcast_in_dim3A_973 : f32 to vector<16xf32>
        %broadcast_in_dim3A_975 = arith.constant 0.000000e+00 : f32
        %broadcast_in_dim3A_976 = vector.broadcast %broadcast_in_dim3A_975 : f32 to vector<16xf32>
        %broadcast_in_dim3A_977 = arith.constant 0.000000e+00 : f32
        %broadcast_in_dim3A_978 = vector.broadcast %broadcast_in_dim3A_977 : f32 to vector<16xf32>
        %get3A_979 = arith.index_cast %scan3A_972 : i32 to index
        %get3A_980 = arith.constant 0 : index
        %get3A_981 = tpu.vector_load %arg9[%get3A_979, %get3A_980] {strides = array<i32>} : memref<128x128xf32, #tpu.memory_space<vmem>>, vector<16xf32>,
        %get3A_982 = arith.index_cast %scan3A_972 : i32 to index
        %get3A_983 = arith.constant 0 : index
        %get3A_984 = tpu.vector_load %arg10[%get3A_982, %get3A_983] {strides = array<i32>} : memref<128x128xf32, #tpu.memory_space<vmem>>, vector<16xf32>,
        %mul3A_985 = arith.mulf %get3A_981, %get3A_984 : vector<16xf32>
        %add3A_986 = arith.addf %broadcast_in_dim3A_974, %mul3A_985 : vector<16xf32>
        %mul3A_987 = arith.mulf %get3A_981, %get3A_981 : vector<16xf32>
        %add3A_988 = arith.addf %broadcast_in_dim3A_976, %mul3A_987 : vector<16xf32>
        %mul3A_989 = arith.mulf %get3A_984, %get3A_984 : vector<16xf32>
        %add3A_990 = arith.addf %broadcast_in_dim3A_978, %mul3A_989 : vector<16xf32>
        %get3A_991 = arith.index_cast %scan3A_972 : i32 to index
        %get3A_992 = arith.constant 16 : index
        %get3A_993 = tpu.vector_load %arg9[%get3A_991, %get3A_992] {strides = array<i32>} : memref<128x128xf32, #tpu.memory_space<vmem>>, vector<16xf32>,
        %get3A_994 = arith.index_cast %scan3A_972 : i32 to index
        %get3A_995 = arith.constant 16 : index
        %get3A_996 = tpu.vector_load %arg10[%get3A_994, %get3A_995] {strides = array<i32>} : memref<128x128xf32, #tpu.memory_space<vmem>>, vector<16xf32>,
        %mul3A_997 = arith.mulf %get3A_993, %get3A_996 : vector<16xf32>
        %add3A_998 = arith.addf %add3A_986, %mul3A_997 : vector<16xf32>
        %mul3A_999 = arith.mulf %get3A_993, %get3A_993 : vector<16xf32>
        %add3A_1000 = arith.addf %add3A_988, %mul3A_999 : vector<16xf32>
        %mul3A_1001 = arith.mulf %get3A_996, %get3A_996 : vector<16xf32>
        %add3A_1002 = arith.addf %add3A_990, %mul3A_1001 : vector<16xf32>
        %get3A_1003 = arith.index_cast %scan3A_972 : i32 to index
        %get3A_1004 = arith.constant 32 : index
        %get3A_1005 = tpu.vector_load %arg9[%get3A_1003, %get3A_1004] {strides = array<i32>} : memref<128x128xf32, #tpu.memory_space<vmem>>, vector<16xf32>,
        %get3A_1006 = arith.index_cast %scan3A_972 : i32 to index
        %get3A_1007 = arith.constant 32 : index
        %get3A_1008 = tpu.vector_load %arg10[%get3A_1006, %get3A_1007] {strides = array<i32>} : memref<128x128xf32, #tpu.memory_space<vmem>>, vector<16xf32>,
        %mul3A_1009 = arith.mulf %get3A_1005, %get3A_1008 : vector<16xf32>
        %add3A_1010 = arith.addf %add3A_998, %mul3A_1009 : vector<16xf32>
        %mul3A_1011 = arith.mulf %get3A_1005, %get3A_1005 : vector<16xf32>
        %add3A_1012 = arith.addf %add3A_1000, %mul3A_1011 : vector<16xf32>
        %mul3A_1013 = arith.mulf %get3A_1008, %get3A_1008 : vector<16xf32>
        %add3A_1014 = arith.addf %add3A_1002, %mul3A_1013 : vector<16xf32>
        %get3A_1015 = arith.index_cast %scan3A_972 : i32 to index
        %get3A_1016 = arith.constant 48 : index
        %get3A_1017 = tpu.vector_load %arg9[%get3A_1015, %get3A_1016] {strides = array<i32>} : memref<128x128xf32, #tpu.memory_space<vmem>>, vector<16xf32>,
        %get3A_1018 = arith.index_cast %scan3A_972 : i32 to index
        %get3A_1019 = arith.constant 48 : index
        %get3A_1020 = tpu.vector_load %arg10[%get3A_1018, %get3A_1019] {strides = array<i32>} : memref<128x128xf32, #tpu.memory_space<vmem>>, vector<16xf32>,
        %mul3A_1021 = arith.mulf %get3A_1017, %get3A_1020 : vector<16xf32>
        %add3A_1022 = arith.addf %add3A_1010, %mul3A_1021 : vector<16xf32>
        %mul3A_1023 = arith.mulf %get3A_1017, %get3A_1017 : vector<16xf32>
        %add3A_1024 = arith.addf %add3A_1012, %mul3A_1023 : vector<16xf32>
        %mul3A_1025 = arith.mulf %get3A_1020, %get3A_1020 : vector<16xf32>
        %add3A_1026 = arith.addf %add3A_1014, %mul3A_1025 : vector<16xf32>
        %get3A_1027 = arith.index_cast %scan3A_972 : i32 to index
        %get3A_1028 = arith.constant 64 : index
        %get3A_1029 = tpu.vector_load %arg9[%get3A_1027, %get3A_1028] {strides = array<i32>} : memref<128x128xf32, #tpu.memory_space<vmem>>, vector<16xf32>,
        %get3A_1030 = arith.index_cast %scan3A_972 : i32 to index
        %get3A_1031 = arith.constant 64 : index
        %get3A_1032 = tpu.vector_load %arg10[%get3A_1030, %get3A_1031] {strides = array<i32>} : memref<128x128xf32, #tpu.memory_space<vmem>>, vector<16xf32>,
        %mul3A_1033 = arith.mulf %get3A_1029, %get3A_1032 : vector<16xf32>
        %add3A_1034 = arith.addf %add3A_1022, %mul3A_1033 : vector<16xf32>
        %mul3A_1035 = arith.mulf %get3A_1029, %get3A_1029 : vector<16xf32>
        %add3A_1036 = arith.addf %add3A_1024, %mul3A_1035 : vector<16xf32>
        %mul3A_1037 = arith.mulf %get3A_1032, %get3A_1032 : vector<16xf32>
        %add3A_1038 = arith.addf %add3A_1026, %mul3A_1037 : vector<16xf32>
        %get3A_1039 = arith.index_cast %scan3A_972 : i32 to index
        %get3A_1040 = arith.constant 80 : index
        %get3A_1041 = tpu.vector_load %arg9[%get3A_1039, %get3A_1040] {strides = array<i32>} : memref<128x128xf32, #tpu.memory_space<vmem>>, vector<16xf32>,
        %get3A_1042 = arith.index_cast %scan3A_972 : i32 to index
        %get3A_1043 = arith.constant 80 : index
        %get3A_1044 = tpu.vector_load %arg10[%get3A_1042, %get3A_1043] {strides = array<i32>} : memref<128x128xf32, #tpu.memory_space<vmem>>, vector<16xf32>,
        %mul3A_1045 = arith.mulf %get3A_1041, %get3A_1044 : vector<16xf32>
        %add3A_1046 = arith.addf %add3A_1034, %mul3A_1045 : vector<16xf32>
        %mul3A_1047 = arith.mulf %get3A_1041, %get3A_1041 : vector<16xf32>
        %add3A_1048 = arith.addf %add3A_1036, %mul3A_1047 : vector<16xf32>
        %mul3A_1049 = arith.mulf %get3A_1044, %get3A_1044 : vector<16xf32>
        %add3A_1050 = arith.addf %add3A_1038, %mul3A_1049 : vector<16xf32>
        %get3A_1051 = arith.index_cast %scan3A_972 : i32 to index
        %get3A_1052 = arith.constant 96 : index
        %get3A_1053 = tpu.vector_load %arg9[%get3A_1051, %get3A_1052] {strides = array<i32>} : memref<128x128xf32, #tpu.memory_space<vmem>>, vector<16xf32>,
        %get3A_1054 = arith.index_cast %scan3A_972 : i32 to index
        %get3A_1055 = arith.constant 96 : index
        %get3A_1056 = tpu.vector_load %arg10[%get3A_1054, %get3A_1055] {strides = array<i32>} : memref<128x128xf32, #tpu.memory_space<vmem>>, vector<16xf32>,
        %mul3A_1057 = arith.mulf %get3A_1053, %get3A_1056 : vector<16xf32>
        %add3A_1058 = arith.addf %add3A_1046, %mul3A_1057 : vector<16xf32>
        %mul3A_1059 = arith.mulf %get3A_1053, %get3A_1053 : vector<16xf32>
        %add3A_1060 = arith.addf %add3A_1048, %mul3A_1059 : vector<16xf32>
        %mul3A_1061 = arith.mulf %get3A_1056, %get3A_1056 : vector<16xf32>
        %add3A_1062 = arith.addf %add3A_1050, %mul3A_1061 : vector<16xf32>
        %get3A_1063 = arith.index_cast %scan3A_972 : i32 to index
        %get3A_1064 = arith.constant 112 : index
        %get3A_1065 = tpu.vector_load %arg9[%get3A_1063, %get3A_1064] {strides = array<i32>} : memref<128x128xf32, #tpu.memory_space<vmem>>, vector<16xf32>,
        %get3A_1066 = arith.index_cast %scan3A_972 : i32 to index
        %get3A_1067 = arith.constant 112 : index
        %get3A_1068 = tpu.vector_load %arg10[%get3A_1066, %get3A_1067] {strides = array<i32>} : memref<128x128xf32, #tpu.memory_space<vmem>>, vector<16xf32>,
        %mul3A_1069 = arith.mulf %get3A_1065, %get3A_1068 : vector<16xf32>
        %add3A_1070 = arith.addf %add3A_1058, %mul3A_1069 : vector<16xf32>
        %mul3A_1071 = arith.mulf %get3A_1065, %get3A_1065 : vector<16xf32>
        %add3A_1072 = arith.addf %add3A_1060, %mul3A_1071 : vector<16xf32>
        %mul3A_1073 = arith.mulf %get3A_1068, %get3A_1068 : vector<16xf32>
        %add3A_1074 = arith.addf %add3A_1062, %mul3A_1073 : vector<16xf32>
        %broadcast_in_dim3A_1075 = arith.constant true
        %broadcast_in_dim3A_1076 = vector.broadcast %broadcast_in_dim3A_1075 : i1 to vector<16xi1>
        %masked_cumsum3A_1077 = tpu.scan <sum>, %add3A_1070 masked %broadcast_in_dim3A_1076 : vector<16xf32>, vector<16xi1> -> vector<16xf32>
        %swap3A_1078 = arith.index_cast %scan3A_972 : i32 to index
        %swap3A_1079 = tpu.vector_load %arg11[%swap3A_1078] masked %eq3A_2 {strides = array<i32>} : memref<144xf32, #tpu.memory_space<vmem>>, vector<16xf32>, vector<16xi1>
        tpu.vector_store %arg11[%swap3A_1078], %masked_cumsum3A_1077 masked %eq3A_2 {strides = array<i32>} : memref<144xf32, #tpu.memory_space<vmem>>, vector<16xf32>, vector<16xi1>
        %broadcast_in_dim3A_1080 = arith.constant true
        %broadcast_in_dim3A_1081 = vector.broadcast %broadcast_in_dim3A_1080 : i1 to vector<16xi1>
        %masked_cumsum3A_1082 = tpu.scan <sum>, %add3A_1072 masked %broadcast_in_dim3A_1081 : vector<16xf32>, vector<16xi1> -> vector<16xf32>
        %swap3A_1083 = arith.index_cast %scan3A_972 : i32 to index
        %swap3A_1084 = tpu.vector_load %arg12[%swap3A_1083] masked %eq3A_2 {strides = array<i32>} : memref<144xf32, #tpu.memory_space<vmem>>, vector<16xf32>, vector<16xi1>
        tpu.vector_store %arg12[%swap3A_1083], %masked_cumsum3A_1082 masked %eq3A_2 {strides = array<i32>} : memref<144xf32, #tpu.memory_space<vmem>>, vector<16xf32>, vector<16xi1>
        %broadcast_in_dim3A_1085 = arith.constant true
        %broadcast_in_dim3A_1086 = vector.broadcast %broadcast_in_dim3A_1085 : i1 to vector<16xi1>
        %masked_cumsum3A_1087 = tpu.scan <sum>, %add3A_1074 masked %broadcast_in_dim3A_1086 : vector<16xf32>, vector<16xi1> -> vector<16xf32>
        %swap3A_1088 = arith.index_cast %scan3A_972 : i32 to index
        %swap3A_1089 = tpu.vector_load %arg13[%swap3A_1088] masked %eq3A_2 {strides = array<i32>} : memref<144xf32, #tpu.memory_space<vmem>>, vector<16xf32>, vector<16xi1>
        tpu.vector_store %arg13[%swap3A_1088], %masked_cumsum3A_1087 masked %eq3A_2 {strides = array<i32>} : memref<144xf32, #tpu.memory_space<vmem>>, vector<16xf32>, vector<16xi1>
      }
      %scan3A_39 = arith.constant 128 : i32
      %mul3A_40 = arith.constant 2688 : i32
      %mul3A_41 = arith.muli %add3A, %mul3A_40 : i32
      %mul3A_42 = arith.constant 128 : i32
      %mul3A_43 = arith.muli %scan3A_10, %mul3A_42 : i32
      %add3A_44 = arith.addi %mul3A_41, %mul3A_43 : i32
      %get3A = arith.constant 0 : index
      %get3A_45 = tpu.vector_load %arg11[%get3A] {strides = array<i32>} : memref<144xf32, #tpu.memory_space<vmem>>, vector<16xf32>,
      %get3A_46 = arith.constant 0 : index
      %get3A_47 = tpu.vector_load %arg12[%get3A_46] {strides = array<i32>} : memref<144xf32, #tpu.memory_space<vmem>>, vector<16xf32>,
      %get3A_48 = arith.constant 0 : index
      %get3A_49 = tpu.vector_load %arg13[%get3A_48] {strides = array<i32>} : memref<144xf32, #tpu.memory_space<vmem>>, vector<16xf32>,
      %max3A = arith.constant 1.000000e-16 : f32
      %max3A_50 = vector.broadcast %max3A : f32 to vector<16xf32>
      %max3A_51 = arith.maximumf %get3A_47, %max3A_50 : vector<16xf32>
      %bitcast_convert_type3A = tpu.bitcast %max3A_51 : vector<16xf32> -> vector<16xi32>
      %shift_right_arithmetic3A = arith.constant 1 : i32
      %shift_right_arithmetic3A_52 = vector.broadcast %shift_right_arithmetic3A : i32 to vector<16xi32>
      %shift_right_arithmetic3A_53 = arith.shrsi %bitcast_convert_type3A, %shift_right_arithmetic3A_52 : vector<16xi32>
      %sub3A = arith.constant 1597463007 : i32
      %sub3A_54 = vector.broadcast %sub3A : i32 to vector<16xi32>
      %sub3A_55 = arith.subi %sub3A_54, %shift_right_arithmetic3A_53 : vector<16xi32>
      %bitcast_convert_type3A_56 = tpu.bitcast %sub3A_55 : vector<16xi32> -> vector<16xf32>
      %mul3A_57 = arith.constant 5.000000e-01 : f32
      %mul3A_58 = vector.broadcast %mul3A_57 : f32 to vector<16xf32>
      %mul3A_59 = arith.mulf %mul3A_58, %max3A_51 : vector<16xf32>
      %mul3A_60 = arith.mulf %mul3A_59, %bitcast_convert_type3A_56 : vector<16xf32>
      %mul3A_61 = arith.mulf %mul3A_60, %bitcast_convert_type3A_56 : vector<16xf32>
      %sub3A_62 = arith.constant 1.500000e+00 : f32
      %sub3A_63 = vector.broadcast %sub3A_62 : f32 to vector<16xf32>
      %sub3A_64 = arith.subf %sub3A_63, %mul3A_61 : vector<16xf32>
      %mul3A_65 = arith.mulf %bitcast_convert_type3A_56, %sub3A_64 : vector<16xf32>
      %mul3A_66 = arith.mulf %mul3A_59, %mul3A_65 : vector<16xf32>
      %mul3A_67 = arith.mulf %mul3A_66, %mul3A_65 : vector<16xf32>
      %sub3A_68 = arith.constant 1.500000e+00 : f32
      %sub3A_69 = vector.broadcast %sub3A_68 : f32 to vector<16xf32>
      %sub3A_70 = arith.subf %sub3A_69, %mul3A_67 : vector<16xf32>
      %mul3A_71 = arith.mulf %mul3A_65, %sub3A_70 : vector<16xf32>
      %mul3A_72 = arith.mulf %mul3A_59, %mul3A_71 : vector<16xf32>
      %mul3A_73 = arith.mulf %mul3A_72, %mul3A_71 : vector<16xf32>
      %sub3A_74 = arith.constant 1.500000e+00 : f32
      %sub3A_75 = vector.broadcast %sub3A_74 : f32 to vector<16xf32>
      %sub3A_76 = arith.subf %sub3A_75, %mul3A_73 : vector<16xf32>
      %mul3A_77 = arith.mulf %mul3A_71, %sub3A_76 : vector<16xf32>
      %mul3A_78 = arith.mulf %mul3A_59, %mul3A_77 : vector<16xf32>
      %mul3A_79 = arith.mulf %mul3A_78, %mul3A_77 : vector<16xf32>
      %sub3A_80 = arith.constant 1.500000e+00 : f32
      %sub3A_81 = vector.broadcast %sub3A_80 : f32 to vector<16xf32>
      %sub3A_82 = arith.subf %sub3A_81, %mul3A_79 : vector<16xf32>
      %mul3A_83 = arith.mulf %mul3A_77, %sub3A_82 : vector<16xf32>
      %mul3A_84 = arith.mulf %get3A_45, %mul3A_83 : vector<16xf32>
      %max3A_85 = arith.constant 1.000000e-16 : f32
      %max3A_86 = vector.broadcast %max3A_85 : f32 to vector<16xf32>
      %max3A_87 = arith.maximumf %get3A_49, %max3A_86 : vector<16xf32>
      %bitcast_convert_type3A_88 = tpu.bitcast %max3A_87 : vector<16xf32> -> vector<16xi32>
      %shift_right_arithmetic3A_89 = arith.constant 1 : i32
      %shift_right_arithmetic3A_90 = vector.broadcast %shift_right_arithmetic3A_89 : i32 to vector<16xi32>
      %shift_right_arithmetic3A_91 = arith.shrsi %bitcast_convert_type3A_88, %shift_right_arithmetic3A_90 : vector<16xi32>
      %sub3A_92 = arith.constant 1597463007 : i32
      %sub3A_93 = vector.broadcast %sub3A_92 : i32 to vector<16xi32>
      %sub3A_94 = arith.subi %sub3A_93, %shift_right_arithmetic3A_91 : vector<16xi32>
      %bitcast_convert_type3A_95 = tpu.bitcast %sub3A_94 : vector<16xi32> -> vector<16xf32>
      %mul3A_96 = arith.constant 5.000000e-01 : f32
      %mul3A_97 = vector.broadcast %mul3A_96 : f32 to vector<16xf32>
      %mul3A_98 = arith.mulf %mul3A_97, %max3A_87 : vector<16xf32>
      %mul3A_99 = arith.mulf %mul3A_98, %bitcast_convert_type3A_95 : vector<16xf32>
      %mul3A_100 = arith.mulf %mul3A_99, %bitcast_convert_type3A_95 : vector<16xf32>
      %sub3A_101 = arith.constant 1.500000e+00 : f32
      %sub3A_102 = vector.broadcast %sub3A_101 : f32 to vector<16xf32>
      %sub3A_103 = arith.subf %sub3A_102, %mul3A_100 : vector<16xf32>
      %mul3A_104 = arith.mulf %bitcast_convert_type3A_95, %sub3A_103 : vector<16xf32>
      %mul3A_105 = arith.mulf %mul3A_98, %mul3A_104 : vector<16xf32>
      %mul3A_106 = arith.mulf %mul3A_105, %mul3A_104 : vector<16xf32>
      %sub3A_107 = arith.constant 1.500000e+00 : f32
      %sub3A_108 = vector.broadcast %sub3A_107 : f32 to vector<16xf32>
      %sub3A_109 = arith.subf %sub3A_108, %mul3A_106 : vector<16xf32>
      %mul3A_110 = arith.mulf %mul3A_104, %sub3A_109 : vector<16xf32>
      %mul3A_111 = arith.mulf %mul3A_98, %mul3A_110 : vector<16xf32>
      %mul3A_112 = arith.mulf %mul3A_111, %mul3A_110 : vector<16xf32>
      %sub3A_113 = arith.constant 1.500000e+00 : f32
      %sub3A_114 = vector.broadcast %sub3A_113 : f32 to vector<16xf32>
      %sub3A_115 = arith.subf %sub3A_114, %mul3A_112 : vector<16xf32>
      %mul3A_116 = arith.mulf %mul3A_110, %sub3A_115 : vector<16xf32>
      %mul3A_117 = arith.mulf %mul3A_98, %mul3A_116 : vector<16xf32>
      %mul3A_118 = arith.mulf %mul3A_117, %mul3A_116 : vector<16xf32>
      %sub3A_119 = arith.constant 1.500000e+00 : f32
      %sub3A_120 = vector.broadcast %sub3A_119 : f32 to vector<16xf32>
      %sub3A_121 = arith.subf %sub3A_120, %mul3A_118 : vector<16xf32>
      %mul3A_122 = arith.mulf %mul3A_116, %sub3A_121 : vector<16xf32>
      %mul3A_123 = arith.mulf %mul3A_84, %mul3A_122 : vector<16xf32>
      %add3A_124 = arith.constant 0 : i32
      %add3A_125 = arith.addi %add3A_44, %add3A_124 : i32
      %add3A_126 = vector.broadcast %add3A_125 : i32 to vector<16xi32>
      %add3A_127 = arith.addi %add3A_126, %iota3A : vector<16xi32>
      %lt3A = arith.constant 4096 : i32
      %lt3A_128 = vector.broadcast %lt3A : i32 to vector<16xi32>
      %lt3A_129 = arith.cmpi slt, %add3A_127, %lt3A_128 : vector<16xi32>
      %sub3A_130 = arith.constant 1.000000e+00 : f32
      %sub3A_131 = vector.broadcast %sub3A_130 : f32 to vector<16xf32>
      %sub3A_132 = arith.subf %sub3A_131, %mul3A_123 : vector<16xf32>
      %sub3A_133 = arith.constant 1.000000e+00 : f32
      %sub3A_134 = vector.broadcast %sub3A_133 : f32 to vector<16xf32>
      %sub3A_135 = arith.subf %mul3A_123, %sub3A_134 : vector<16xf32>
      %max3A_136 = arith.constant 0.000000e+00 : f32
      %max3A_137 = vector.broadcast %max3A_136 : f32 to vector<16xf32>
      %max3A_138 = arith.maximumf %sub3A_135, %max3A_137 : vector<16xf32>
      %select_n3A = arith.select %lt3A_129, %sub3A_132, %max3A_138 : vector<16xi1>, vector<16xf32>
      %add3A_139 = arith.addf %scan3A_11, %select_n3A : vector<16xf32>
      %get3A_140 = arith.constant 16 : index
      %get3A_141 = tpu.vector_load %arg11[%get3A_140] {strides = array<i32>} : memref<144xf32, #tpu.memory_space<vmem>>, vector<16xf32>,
      %get3A_142 = arith.constant 16 : index
      %get3A_143 = tpu.vector_load %arg12[%get3A_142] {strides = array<i32>} : memref<144xf32, #tpu.memory_space<vmem>>, vector<16xf32>,
      %get3A_144 = arith.constant 16 : index
      %get3A_145 = tpu.vector_load %arg13[%get3A_144] {strides = array<i32>} : memref<144xf32, #tpu.memory_space<vmem>>, vector<16xf32>,
      %max3A_146 = arith.constant 1.000000e-16 : f32
      %max3A_147 = vector.broadcast %max3A_146 : f32 to vector<16xf32>
      %max3A_148 = arith.maximumf %get3A_143, %max3A_147 : vector<16xf32>
      %bitcast_convert_type3A_149 = tpu.bitcast %max3A_148 : vector<16xf32> -> vector<16xi32>
      %shift_right_arithmetic3A_150 = arith.constant 1 : i32
      %shift_right_arithmetic3A_151 = vector.broadcast %shift_right_arithmetic3A_150 : i32 to vector<16xi32>
      %shift_right_arithmetic3A_152 = arith.shrsi %bitcast_convert_type3A_149, %shift_right_arithmetic3A_151 : vector<16xi32>
      %sub3A_153 = arith.constant 1597463007 : i32
      %sub3A_154 = vector.broadcast %sub3A_153 : i32 to vector<16xi32>
      %sub3A_155 = arith.subi %sub3A_154, %shift_right_arithmetic3A_152 : vector<16xi32>
      %bitcast_convert_type3A_156 = tpu.bitcast %sub3A_155 : vector<16xi32> -> vector<16xf32>
      %mul3A_157 = arith.constant 5.000000e-01 : f32
      %mul3A_158 = vector.broadcast %mul3A_157 : f32 to vector<16xf32>
      %mul3A_159 = arith.mulf %mul3A_158, %max3A_148 : vector<16xf32>
      %mul3A_160 = arith.mulf %mul3A_159, %bitcast_convert_type3A_156 : vector<16xf32>
      %mul3A_161 = arith.mulf %mul3A_160, %bitcast_convert_type3A_156 : vector<16xf32>
      %sub3A_162 = arith.constant 1.500000e+00 : f32
      %sub3A_163 = vector.broadcast %sub3A_162 : f32 to vector<16xf32>
      %sub3A_164 = arith.subf %sub3A_163, %mul3A_161 : vector<16xf32>
      %mul3A_165 = arith.mulf %bitcast_convert_type3A_156, %sub3A_164 : vector<16xf32>
      %mul3A_166 = arith.mulf %mul3A_159, %mul3A_165 : vector<16xf32>
      %mul3A_167 = arith.mulf %mul3A_166, %mul3A_165 : vector<16xf32>
      %sub3A_168 = arith.constant 1.500000e+00 : f32
      %sub3A_169 = vector.broadcast %sub3A_168 : f32 to vector<16xf32>
      %sub3A_170 = arith.subf %sub3A_169, %mul3A_167 : vector<16xf32>
      %mul3A_171 = arith.mulf %mul3A_165, %sub3A_170 : vector<16xf32>
      %mul3A_172 = arith.mulf %mul3A_159, %mul3A_171 : vector<16xf32>
      %mul3A_173 = arith.mulf %mul3A_172, %mul3A_171 : vector<16xf32>
      %sub3A_174 = arith.constant 1.500000e+00 : f32
      %sub3A_175 = vector.broadcast %sub3A_174 : f32 to vector<16xf32>
      %sub3A_176 = arith.subf %sub3A_175, %mul3A_173 : vector<16xf32>
      %mul3A_177 = arith.mulf %mul3A_171, %sub3A_176 : vector<16xf32>
      %mul3A_178 = arith.mulf %mul3A_159, %mul3A_177 : vector<16xf32>
      %mul3A_179 = arith.mulf %mul3A_178, %mul3A_177 : vector<16xf32>
      %sub3A_180 = arith.constant 1.500000e+00 : f32
      %sub3A_181 = vector.broadcast %sub3A_180 : f32 to vector<16xf32>
      %sub3A_182 = arith.subf %sub3A_181, %mul3A_179 : vector<16xf32>
      %mul3A_183 = arith.mulf %mul3A_177, %sub3A_182 : vector<16xf32>
      %mul3A_184 = arith.mulf %get3A_141, %mul3A_183 : vector<16xf32>
      %max3A_185 = arith.constant 1.000000e-16 : f32
      %max3A_186 = vector.broadcast %max3A_185 : f32 to vector<16xf32>
      %max3A_187 = arith.maximumf %get3A_145, %max3A_186 : vector<16xf32>
      %bitcast_convert_type3A_188 = tpu.bitcast %max3A_187 : vector<16xf32> -> vector<16xi32>
      %shift_right_arithmetic3A_189 = arith.constant 1 : i32
      %shift_right_arithmetic3A_190 = vector.broadcast %shift_right_arithmetic3A_189 : i32 to vector<16xi32>
      %shift_right_arithmetic3A_191 = arith.shrsi %bitcast_convert_type3A_188, %shift_right_arithmetic3A_190 : vector<16xi32>
      %sub3A_192 = arith.constant 1597463007 : i32
      %sub3A_193 = vector.broadcast %sub3A_192 : i32 to vector<16xi32>
      %sub3A_194 = arith.subi %sub3A_193, %shift_right_arithmetic3A_191 : vector<16xi32>
      %bitcast_convert_type3A_195 = tpu.bitcast %sub3A_194 : vector<16xi32> -> vector<16xf32>
      %mul3A_196 = arith.constant 5.000000e-01 : f32
      %mul3A_197 = vector.broadcast %mul3A_196 : f32 to vector<16xf32>
      %mul3A_198 = arith.mulf %mul3A_197, %max3A_187 : vector<16xf32>
      %mul3A_199 = arith.mulf %mul3A_198, %bitcast_convert_type3A_195 : vector<16xf32>
      %mul3A_200 = arith.mulf %mul3A_199, %bitcast_convert_type3A_195 : vector<16xf32>
      %sub3A_201 = arith.constant 1.500000e+00 : f32
      %sub3A_202 = vector.broadcast %sub3A_201 : f32 to vector<16xf32>
      %sub3A_203 = arith.subf %sub3A_202, %mul3A_200 : vector<16xf32>
      %mul3A_204 = arith.mulf %bitcast_convert_type3A_195, %sub3A_203 : vector<16xf32>
      %mul3A_205 = arith.mulf %mul3A_198, %mul3A_204 : vector<16xf32>
      %mul3A_206 = arith.mulf %mul3A_205, %mul3A_204 : vector<16xf32>
      %sub3A_207 = arith.constant 1.500000e+00 : f32
      %sub3A_208 = vector.broadcast %sub3A_207 : f32 to vector<16xf32>
      %sub3A_209 = arith.subf %sub3A_208, %mul3A_206 : vector<16xf32>
      %mul3A_210 = arith.mulf %mul3A_204, %sub3A_209 : vector<16xf32>
      %mul3A_211 = arith.mulf %mul3A_198, %mul3A_210 : vector<16xf32>
      %mul3A_212 = arith.mulf %mul3A_211, %mul3A_210 : vector<16xf32>
      %sub3A_213 = arith.constant 1.500000e+00 : f32
      %sub3A_214 = vector.broadcast %sub3A_213 : f32 to vector<16xf32>
      %sub3A_215 = arith.subf %sub3A_214, %mul3A_212 : vector<16xf32>
      %mul3A_216 = arith.mulf %mul3A_210, %sub3A_215 : vector<16xf32>
      %mul3A_217 = arith.mulf %mul3A_198, %mul3A_216 : vector<16xf32>
      %mul3A_218 = arith.mulf %mul3A_217, %mul3A_216 : vector<16xf32>
      %sub3A_219 = arith.constant 1.500000e+00 : f32
      %sub3A_220 = vector.broadcast %sub3A_219 : f32 to vector<16xf32>
      %sub3A_221 = arith.subf %sub3A_220, %mul3A_218 : vector<16xf32>
      %mul3A_222 = arith.mulf %mul3A_216, %sub3A_221 : vector<16xf32>
      %mul3A_223 = arith.mulf %mul3A_184, %mul3A_222 : vector<16xf32>
      %add3A_224 = arith.constant 16 : i32
      %add3A_225 = arith.addi %add3A_44, %add3A_224 : i32
      %add3A_226 = vector.broadcast %add3A_225 : i32 to vector<16xi32>
      %add3A_227 = arith.addi %add3A_226, %iota3A : vector<16xi32>
      %lt3A_228 = arith.constant 4096 : i32
      %lt3A_229 = vector.broadcast %lt3A_228 : i32 to vector<16xi32>
      %lt3A_230 = arith.cmpi slt, %add3A_227, %lt3A_229 : vector<16xi32>
      %sub3A_231 = arith.constant 1.000000e+00 : f32
      %sub3A_232 = vector.broadcast %sub3A_231 : f32 to vector<16xf32>
      %sub3A_233 = arith.subf %sub3A_232, %mul3A_223 : vector<16xf32>
      %sub3A_234 = arith.constant 1.000000e+00 : f32
      %sub3A_235 = vector.broadcast %sub3A_234 : f32 to vector<16xf32>
      %sub3A_236 = arith.subf %mul3A_223, %sub3A_235 : vector<16xf32>
      %max3A_237 = arith.constant 0.000000e+00 : f32
      %max3A_238 = vector.broadcast %max3A_237 : f32 to vector<16xf32>
      %max3A_239 = arith.maximumf %sub3A_236, %max3A_238 : vector<16xf32>
      %select_n3A_240 = arith.select %lt3A_230, %sub3A_233, %max3A_239 : vector<16xi1>, vector<16xf32>
      %add3A_241 = arith.addf %add3A_139, %select_n3A_240 : vector<16xf32>
      %get3A_242 = arith.constant 32 : index
      %get3A_243 = tpu.vector_load %arg11[%get3A_242] {strides = array<i32>} : memref<144xf32, #tpu.memory_space<vmem>>, vector<16xf32>,
      %get3A_244 = arith.constant 32 : index
      %get3A_245 = tpu.vector_load %arg12[%get3A_244] {strides = array<i32>} : memref<144xf32, #tpu.memory_space<vmem>>, vector<16xf32>,
      %get3A_246 = arith.constant 32 : index
      %get3A_247 = tpu.vector_load %arg13[%get3A_246] {strides = array<i32>} : memref<144xf32, #tpu.memory_space<vmem>>, vector<16xf32>,
      %max3A_248 = arith.constant 1.000000e-16 : f32
      %max3A_249 = vector.broadcast %max3A_248 : f32 to vector<16xf32>
      %max3A_250 = arith.maximumf %get3A_245, %max3A_249 : vector<16xf32>
      %bitcast_convert_type3A_251 = tpu.bitcast %max3A_250 : vector<16xf32> -> vector<16xi32>
      %shift_right_arithmetic3A_252 = arith.constant 1 : i32
      %shift_right_arithmetic3A_253 = vector.broadcast %shift_right_arithmetic3A_252 : i32 to vector<16xi32>
      %shift_right_arithmetic3A_254 = arith.shrsi %bitcast_convert_type3A_251, %shift_right_arithmetic3A_253 : vector<16xi32>
      %sub3A_255 = arith.constant 1597463007 : i32
      %sub3A_256 = vector.broadcast %sub3A_255 : i32 to vector<16xi32>
      %sub3A_257 = arith.subi %sub3A_256, %shift_right_arithmetic3A_254 : vector<16xi32>
      %bitcast_convert_type3A_258 = tpu.bitcast %sub3A_257 : vector<16xi32> -> vector<16xf32>
      %mul3A_259 = arith.constant 5.000000e-01 : f32
      %mul3A_260 = vector.broadcast %mul3A_259 : f32 to vector<16xf32>
      %mul3A_261 = arith.mulf %mul3A_260, %max3A_250 : vector<16xf32>
      %mul3A_262 = arith.mulf %mul3A_261, %bitcast_convert_type3A_258 : vector<16xf32>
      %mul3A_263 = arith.mulf %mul3A_262, %bitcast_convert_type3A_258 : vector<16xf32>
      %sub3A_264 = arith.constant 1.500000e+00 : f32
      %sub3A_265 = vector.broadcast %sub3A_264 : f32 to vector<16xf32>
      %sub3A_266 = arith.subf %sub3A_265, %mul3A_263 : vector<16xf32>
      %mul3A_267 = arith.mulf %bitcast_convert_type3A_258, %sub3A_266 : vector<16xf32>
      %mul3A_268 = arith.mulf %mul3A_261, %mul3A_267 : vector<16xf32>
      %mul3A_269 = arith.mulf %mul3A_268, %mul3A_267 : vector<16xf32>
      %sub3A_270 = arith.constant 1.500000e+00 : f32
      %sub3A_271 = vector.broadcast %sub3A_270 : f32 to vector<16xf32>
      %sub3A_272 = arith.subf %sub3A_271, %mul3A_269 : vector<16xf32>
      %mul3A_273 = arith.mulf %mul3A_267, %sub3A_272 : vector<16xf32>
      %mul3A_274 = arith.mulf %mul3A_261, %mul3A_273 : vector<16xf32>
      %mul3A_275 = arith.mulf %mul3A_274, %mul3A_273 : vector<16xf32>
      %sub3A_276 = arith.constant 1.500000e+00 : f32
      %sub3A_277 = vector.broadcast %sub3A_276 : f32 to vector<16xf32>
      %sub3A_278 = arith.subf %sub3A_277, %mul3A_275 : vector<16xf32>
      %mul3A_279 = arith.mulf %mul3A_273, %sub3A_278 : vector<16xf32>
      %mul3A_280 = arith.mulf %mul3A_261, %mul3A_279 : vector<16xf32>
      %mul3A_281 = arith.mulf %mul3A_280, %mul3A_279 : vector<16xf32>
      %sub3A_282 = arith.constant 1.500000e+00 : f32
      %sub3A_283 = vector.broadcast %sub3A_282 : f32 to vector<16xf32>
      %sub3A_284 = arith.subf %sub3A_283, %mul3A_281 : vector<16xf32>
      %mul3A_285 = arith.mulf %mul3A_279, %sub3A_284 : vector<16xf32>
      %mul3A_286 = arith.mulf %get3A_243, %mul3A_285 : vector<16xf32>
      %max3A_287 = arith.constant 1.000000e-16 : f32
      %max3A_288 = vector.broadcast %max3A_287 : f32 to vector<16xf32>
      %max3A_289 = arith.maximumf %get3A_247, %max3A_288 : vector<16xf32>
      %bitcast_convert_type3A_290 = tpu.bitcast %max3A_289 : vector<16xf32> -> vector<16xi32>
      %shift_right_arithmetic3A_291 = arith.constant 1 : i32
      %shift_right_arithmetic3A_292 = vector.broadcast %shift_right_arithmetic3A_291 : i32 to vector<16xi32>
      %shift_right_arithmetic3A_293 = arith.shrsi %bitcast_convert_type3A_290, %shift_right_arithmetic3A_292 : vector<16xi32>
      %sub3A_294 = arith.constant 1597463007 : i32
      %sub3A_295 = vector.broadcast %sub3A_294 : i32 to vector<16xi32>
      %sub3A_296 = arith.subi %sub3A_295, %shift_right_arithmetic3A_293 : vector<16xi32>
      %bitcast_convert_type3A_297 = tpu.bitcast %sub3A_296 : vector<16xi32> -> vector<16xf32>
      %mul3A_298 = arith.constant 5.000000e-01 : f32
      %mul3A_299 = vector.broadcast %mul3A_298 : f32 to vector<16xf32>
      %mul3A_300 = arith.mulf %mul3A_299, %max3A_289 : vector<16xf32>
      %mul3A_301 = arith.mulf %mul3A_300, %bitcast_convert_type3A_297 : vector<16xf32>
      %mul3A_302 = arith.mulf %mul3A_301, %bitcast_convert_type3A_297 : vector<16xf32>
      %sub3A_303 = arith.constant 1.500000e+00 : f32
      %sub3A_304 = vector.broadcast %sub3A_303 : f32 to vector<16xf32>
      %sub3A_305 = arith.subf %sub3A_304, %mul3A_302 : vector<16xf32>
      %mul3A_306 = arith.mulf %bitcast_convert_type3A_297, %sub3A_305 : vector<16xf32>
      %mul3A_307 = arith.mulf %mul3A_300, %mul3A_306 : vector<16xf32>
      %mul3A_308 = arith.mulf %mul3A_307, %mul3A_306 : vector<16xf32>
      %sub3A_309 = arith.constant 1.500000e+00 : f32
      %sub3A_310 = vector.broadcast %sub3A_309 : f32 to vector<16xf32>
      %sub3A_311 = arith.subf %sub3A_310, %mul3A_308 : vector<16xf32>
      %mul3A_312 = arith.mulf %mul3A_306, %sub3A_311 : vector<16xf32>
      %mul3A_313 = arith.mulf %mul3A_300, %mul3A_312 : vector<16xf32>
      %mul3A_314 = arith.mulf %mul3A_313, %mul3A_312 : vector<16xf32>
      %sub3A_315 = arith.constant 1.500000e+00 : f32
      %sub3A_316 = vector.broadcast %sub3A_315 : f32 to vector<16xf32>
      %sub3A_317 = arith.subf %sub3A_316, %mul3A_314 : vector<16xf32>
      %mul3A_318 = arith.mulf %mul3A_312, %sub3A_317 : vector<16xf32>
      %mul3A_319 = arith.mulf %mul3A_300, %mul3A_318 : vector<16xf32>
      %mul3A_320 = arith.mulf %mul3A_319, %mul3A_318 : vector<16xf32>
      %sub3A_321 = arith.constant 1.500000e+00 : f32
      %sub3A_322 = vector.broadcast %sub3A_321 : f32 to vector<16xf32>
      %sub3A_323 = arith.subf %sub3A_322, %mul3A_320 : vector<16xf32>
      %mul3A_324 = arith.mulf %mul3A_318, %sub3A_323 : vector<16xf32>
      %mul3A_325 = arith.mulf %mul3A_286, %mul3A_324 : vector<16xf32>
      %add3A_326 = arith.constant 32 : i32
      %add3A_327 = arith.addi %add3A_44, %add3A_326 : i32
      %add3A_328 = vector.broadcast %add3A_327 : i32 to vector<16xi32>
      %add3A_329 = arith.addi %add3A_328, %iota3A : vector<16xi32>
      %lt3A_330 = arith.constant 4096 : i32
      %lt3A_331 = vector.broadcast %lt3A_330 : i32 to vector<16xi32>
      %lt3A_332 = arith.cmpi slt, %add3A_329, %lt3A_331 : vector<16xi32>
      %sub3A_333 = arith.constant 1.000000e+00 : f32
      %sub3A_334 = vector.broadcast %sub3A_333 : f32 to vector<16xf32>
      %sub3A_335 = arith.subf %sub3A_334, %mul3A_325 : vector<16xf32>
      %sub3A_336 = arith.constant 1.000000e+00 : f32
      %sub3A_337 = vector.broadcast %sub3A_336 : f32 to vector<16xf32>
      %sub3A_338 = arith.subf %mul3A_325, %sub3A_337 : vector<16xf32>
      %max3A_339 = arith.constant 0.000000e+00 : f32
      %max3A_340 = vector.broadcast %max3A_339 : f32 to vector<16xf32>
      %max3A_341 = arith.maximumf %sub3A_338, %max3A_340 : vector<16xf32>
      %select_n3A_342 = arith.select %lt3A_332, %sub3A_335, %max3A_341 : vector<16xi1>, vector<16xf32>
      %add3A_343 = arith.addf %add3A_241, %select_n3A_342 : vector<16xf32>
      %get3A_344 = arith.constant 48 : index
      %get3A_345 = tpu.vector_load %arg11[%get3A_344] {strides = array<i32>} : memref<144xf32, #tpu.memory_space<vmem>>, vector<16xf32>,
      %get3A_346 = arith.constant 48 : index
      %get3A_347 = tpu.vector_load %arg12[%get3A_346] {strides = array<i32>} : memref<144xf32, #tpu.memory_space<vmem>>, vector<16xf32>,
      %get3A_348 = arith.constant 48 : index
      %get3A_349 = tpu.vector_load %arg13[%get3A_348] {strides = array<i32>} : memref<144xf32, #tpu.memory_space<vmem>>, vector<16xf32>,
      %max3A_350 = arith.constant 1.000000e-16 : f32
      %max3A_351 = vector.broadcast %max3A_350 : f32 to vector<16xf32>
      %max3A_352 = arith.maximumf %get3A_347, %max3A_351 : vector<16xf32>
      %bitcast_convert_type3A_353 = tpu.bitcast %max3A_352 : vector<16xf32> -> vector<16xi32>
      %shift_right_arithmetic3A_354 = arith.constant 1 : i32
      %shift_right_arithmetic3A_355 = vector.broadcast %shift_right_arithmetic3A_354 : i32 to vector<16xi32>
      %shift_right_arithmetic3A_356 = arith.shrsi %bitcast_convert_type3A_353, %shift_right_arithmetic3A_355 : vector<16xi32>
      %sub3A_357 = arith.constant 1597463007 : i32
      %sub3A_358 = vector.broadcast %sub3A_357 : i32 to vector<16xi32>
      %sub3A_359 = arith.subi %sub3A_358, %shift_right_arithmetic3A_356 : vector<16xi32>
      %bitcast_convert_type3A_360 = tpu.bitcast %sub3A_359 : vector<16xi32> -> vector<16xf32>
      %mul3A_361 = arith.constant 5.000000e-01 : f32
      %mul3A_362 = vector.broadcast %mul3A_361 : f32 to vector<16xf32>
      %mul3A_363 = arith.mulf %mul3A_362, %max3A_352 : vector<16xf32>
      %mul3A_364 = arith.mulf %mul3A_363, %bitcast_convert_type3A_360 : vector<16xf32>
      %mul3A_365 = arith.mulf %mul3A_364, %bitcast_convert_type3A_360 : vector<16xf32>
      %sub3A_366 = arith.constant 1.500000e+00 : f32
      %sub3A_367 = vector.broadcast %sub3A_366 : f32 to vector<16xf32>
      %sub3A_368 = arith.subf %sub3A_367, %mul3A_365 : vector<16xf32>
      %mul3A_369 = arith.mulf %bitcast_convert_type3A_360, %sub3A_368 : vector<16xf32>
      %mul3A_370 = arith.mulf %mul3A_363, %mul3A_369 : vector<16xf32>
      %mul3A_371 = arith.mulf %mul3A_370, %mul3A_369 : vector<16xf32>
      %sub3A_372 = arith.constant 1.500000e+00 : f32
      %sub3A_373 = vector.broadcast %sub3A_372 : f32 to vector<16xf32>
      %sub3A_374 = arith.subf %sub3A_373, %mul3A_371 : vector<16xf32>
      %mul3A_375 = arith.mulf %mul3A_369, %sub3A_374 : vector<16xf32>
      %mul3A_376 = arith.mulf %mul3A_363, %mul3A_375 : vector<16xf32>
      %mul3A_377 = arith.mulf %mul3A_376, %mul3A_375 : vector<16xf32>
      %sub3A_378 = arith.constant 1.500000e+00 : f32
      %sub3A_379 = vector.broadcast %sub3A_378 : f32 to vector<16xf32>
      %sub3A_380 = arith.subf %sub3A_379, %mul3A_377 : vector<16xf32>
      %mul3A_381 = arith.mulf %mul3A_375, %sub3A_380 : vector<16xf32>
      %mul3A_382 = arith.mulf %mul3A_363, %mul3A_381 : vector<16xf32>
      %mul3A_383 = arith.mulf %mul3A_382, %mul3A_381 : vector<16xf32>
      %sub3A_384 = arith.constant 1.500000e+00 : f32
      %sub3A_385 = vector.broadcast %sub3A_384 : f32 to vector<16xf32>
      %sub3A_386 = arith.subf %sub3A_385, %mul3A_383 : vector<16xf32>
      %mul3A_387 = arith.mulf %mul3A_381, %sub3A_386 : vector<16xf32>
      %mul3A_388 = arith.mulf %get3A_345, %mul3A_387 : vector<16xf32>
      %max3A_389 = arith.constant 1.000000e-16 : f32
      %max3A_390 = vector.broadcast %max3A_389 : f32 to vector<16xf32>
      %max3A_391 = arith.maximumf %get3A_349, %max3A_390 : vector<16xf32>
      %bitcast_convert_type3A_392 = tpu.bitcast %max3A_391 : vector<16xf32> -> vector<16xi32>
      %shift_right_arithmetic3A_393 = arith.constant 1 : i32
      %shift_right_arithmetic3A_394 = vector.broadcast %shift_right_arithmetic3A_393 : i32 to vector<16xi32>
      %shift_right_arithmetic3A_395 = arith.shrsi %bitcast_convert_type3A_392, %shift_right_arithmetic3A_394 : vector<16xi32>
      %sub3A_396 = arith.constant 1597463007 : i32
      %sub3A_397 = vector.broadcast %sub3A_396 : i32 to vector<16xi32>
      %sub3A_398 = arith.subi %sub3A_397, %shift_right_arithmetic3A_395 : vector<16xi32>
      %bitcast_convert_type3A_399 = tpu.bitcast %sub3A_398 : vector<16xi32> -> vector<16xf32>
      %mul3A_400 = arith.constant 5.000000e-01 : f32
      %mul3A_401 = vector.broadcast %mul3A_400 : f32 to vector<16xf32>
      %mul3A_402 = arith.mulf %mul3A_401, %max3A_391 : vector<16xf32>
      %mul3A_403 = arith.mulf %mul3A_402, %bitcast_convert_type3A_399 : vector<16xf32>
      %mul3A_404 = arith.mulf %mul3A_403, %bitcast_convert_type3A_399 : vector<16xf32>
      %sub3A_405 = arith.constant 1.500000e+00 : f32
      %sub3A_406 = vector.broadcast %sub3A_405 : f32 to vector<16xf32>
      %sub3A_407 = arith.subf %sub3A_406, %mul3A_404 : vector<16xf32>
      %mul3A_408 = arith.mulf %bitcast_convert_type3A_399, %sub3A_407 : vector<16xf32>
      %mul3A_409 = arith.mulf %mul3A_402, %mul3A_408 : vector<16xf32>
      %mul3A_410 = arith.mulf %mul3A_409, %mul3A_408 : vector<16xf32>
      %sub3A_411 = arith.constant 1.500000e+00 : f32
      %sub3A_412 = vector.broadcast %sub3A_411 : f32 to vector<16xf32>
      %sub3A_413 = arith.subf %sub3A_412, %mul3A_410 : vector<16xf32>
      %mul3A_414 = arith.mulf %mul3A_408, %sub3A_413 : vector<16xf32>
      %mul3A_415 = arith.mulf %mul3A_402, %mul3A_414 : vector<16xf32>
      %mul3A_416 = arith.mulf %mul3A_415, %mul3A_414 : vector<16xf32>
      %sub3A_417 = arith.constant 1.500000e+00 : f32
      %sub3A_418 = vector.broadcast %sub3A_417 : f32 to vector<16xf32>
      %sub3A_419 = arith.subf %sub3A_418, %mul3A_416 : vector<16xf32>
      %mul3A_420 = arith.mulf %mul3A_414, %sub3A_419 : vector<16xf32>
      %mul3A_421 = arith.mulf %mul3A_402, %mul3A_420 : vector<16xf32>
      %mul3A_422 = arith.mulf %mul3A_421, %mul3A_420 : vector<16xf32>
      %sub3A_423 = arith.constant 1.500000e+00 : f32
      %sub3A_424 = vector.broadcast %sub3A_423 : f32 to vector<16xf32>
      %sub3A_425 = arith.subf %sub3A_424, %mul3A_422 : vector<16xf32>
      %mul3A_426 = arith.mulf %mul3A_420, %sub3A_425 : vector<16xf32>
      %mul3A_427 = arith.mulf %mul3A_388, %mul3A_426 : vector<16xf32>
      %add3A_428 = arith.constant 48 : i32
      %add3A_429 = arith.addi %add3A_44, %add3A_428 : i32
      %add3A_430 = vector.broadcast %add3A_429 : i32 to vector<16xi32>
      %add3A_431 = arith.addi %add3A_430, %iota3A : vector<16xi32>
      %lt3A_432 = arith.constant 4096 : i32
      %lt3A_433 = vector.broadcast %lt3A_432 : i32 to vector<16xi32>
      %lt3A_434 = arith.cmpi slt, %add3A_431, %lt3A_433 : vector<16xi32>
      %sub3A_435 = arith.constant 1.000000e+00 : f32
      %sub3A_436 = vector.broadcast %sub3A_435 : f32 to vector<16xf32>
      %sub3A_437 = arith.subf %sub3A_436, %mul3A_427 : vector<16xf32>
      %sub3A_438 = arith.constant 1.000000e+00 : f32
      %sub3A_439 = vector.broadcast %sub3A_438 : f32 to vector<16xf32>
      %sub3A_440 = arith.subf %mul3A_427, %sub3A_439 : vector<16xf32>
      %max3A_441 = arith.constant 0.000000e+00 : f32
      %max3A_442 = vector.broadcast %max3A_441 : f32 to vector<16xf32>
      %max3A_443 = arith.maximumf %sub3A_440, %max3A_442 : vector<16xf32>
      %select_n3A_444 = arith.select %lt3A_434, %sub3A_437, %max3A_443 : vector<16xi1>, vector<16xf32>
      %add3A_445 = arith.addf %add3A_343, %select_n3A_444 : vector<16xf32>
      %get3A_446 = arith.constant 64 : index
      %get3A_447 = tpu.vector_load %arg11[%get3A_446] {strides = array<i32>} : memref<144xf32, #tpu.memory_space<vmem>>, vector<16xf32>,
      %get3A_448 = arith.constant 64 : index
      %get3A_449 = tpu.vector_load %arg12[%get3A_448] {strides = array<i32>} : memref<144xf32, #tpu.memory_space<vmem>>, vector<16xf32>,
      %get3A_450 = arith.constant 64 : index
      %get3A_451 = tpu.vector_load %arg13[%get3A_450] {strides = array<i32>} : memref<144xf32, #tpu.memory_space<vmem>>, vector<16xf32>,
      %max3A_452 = arith.constant 1.000000e-16 : f32
      %max3A_453 = vector.broadcast %max3A_452 : f32 to vector<16xf32>
      %max3A_454 = arith.maximumf %get3A_449, %max3A_453 : vector<16xf32>
      %bitcast_convert_type3A_455 = tpu.bitcast %max3A_454 : vector<16xf32> -> vector<16xi32>
      %shift_right_arithmetic3A_456 = arith.constant 1 : i32
      %shift_right_arithmetic3A_457 = vector.broadcast %shift_right_arithmetic3A_456 : i32 to vector<16xi32>
      %shift_right_arithmetic3A_458 = arith.shrsi %bitcast_convert_type3A_455, %shift_right_arithmetic3A_457 : vector<16xi32>
      %sub3A_459 = arith.constant 1597463007 : i32
      %sub3A_460 = vector.broadcast %sub3A_459 : i32 to vector<16xi32>
      %sub3A_461 = arith.subi %sub3A_460, %shift_right_arithmetic3A_458 : vector<16xi32>
      %bitcast_convert_type3A_462 = tpu.bitcast %sub3A_461 : vector<16xi32> -> vector<16xf32>
      %mul3A_463 = arith.constant 5.000000e-01 : f32
      %mul3A_464 = vector.broadcast %mul3A_463 : f32 to vector<16xf32>
      %mul3A_465 = arith.mulf %mul3A_464, %max3A_454 : vector<16xf32>
      %mul3A_466 = arith.mulf %mul3A_465, %bitcast_convert_type3A_462 : vector<16xf32>
      %mul3A_467 = arith.mulf %mul3A_466, %bitcast_convert_type3A_462 : vector<16xf32>
      %sub3A_468 = arith.constant 1.500000e+00 : f32
      %sub3A_469 = vector.broadcast %sub3A_468 : f32 to vector<16xf32>
      %sub3A_470 = arith.subf %sub3A_469, %mul3A_467 : vector<16xf32>
      %mul3A_471 = arith.mulf %bitcast_convert_type3A_462, %sub3A_470 : vector<16xf32>
      %mul3A_472 = arith.mulf %mul3A_465, %mul3A_471 : vector<16xf32>
      %mul3A_473 = arith.mulf %mul3A_472, %mul3A_471 : vector<16xf32>
      %sub3A_474 = arith.constant 1.500000e+00 : f32
      %sub3A_475 = vector.broadcast %sub3A_474 : f32 to vector<16xf32>
      %sub3A_476 = arith.subf %sub3A_475, %mul3A_473 : vector<16xf32>
      %mul3A_477 = arith.mulf %mul3A_471, %sub3A_476 : vector<16xf32>
      %mul3A_478 = arith.mulf %mul3A_465, %mul3A_477 : vector<16xf32>
      %mul3A_479 = arith.mulf %mul3A_478, %mul3A_477 : vector<16xf32>
      %sub3A_480 = arith.constant 1.500000e+00 : f32
      %sub3A_481 = vector.broadcast %sub3A_480 : f32 to vector<16xf32>
      %sub3A_482 = arith.subf %sub3A_481, %mul3A_479 : vector<16xf32>
      %mul3A_483 = arith.mulf %mul3A_477, %sub3A_482 : vector<16xf32>
      %mul3A_484 = arith.mulf %mul3A_465, %mul3A_483 : vector<16xf32>
      %mul3A_485 = arith.mulf %mul3A_484, %mul3A_483 : vector<16xf32>
      %sub3A_486 = arith.constant 1.500000e+00 : f32
      %sub3A_487 = vector.broadcast %sub3A_486 : f32 to vector<16xf32>
      %sub3A_488 = arith.subf %sub3A_487, %mul3A_485 : vector<16xf32>
      %mul3A_489 = arith.mulf %mul3A_483, %sub3A_488 : vector<16xf32>
      %mul3A_490 = arith.mulf %get3A_447, %mul3A_489 : vector<16xf32>
      %max3A_491 = arith.constant 1.000000e-16 : f32
      %max3A_492 = vector.broadcast %max3A_491 : f32 to vector<16xf32>
      %max3A_493 = arith.maximumf %get3A_451, %max3A_492 : vector<16xf32>
      %bitcast_convert_type3A_494 = tpu.bitcast %max3A_493 : vector<16xf32> -> vector<16xi32>
      %shift_right_arithmetic3A_495 = arith.constant 1 : i32
      %shift_right_arithmetic3A_496 = vector.broadcast %shift_right_arithmetic3A_495 : i32 to vector<16xi32>
      %shift_right_arithmetic3A_497 = arith.shrsi %bitcast_convert_type3A_494, %shift_right_arithmetic3A_496 : vector<16xi32>
      %sub3A_498 = arith.constant 1597463007 : i32
      %sub3A_499 = vector.broadcast %sub3A_498 : i32 to vector<16xi32>
      %sub3A_500 = arith.subi %sub3A_499, %shift_right_arithmetic3A_497 : vector<16xi32>
      %bitcast_convert_type3A_501 = tpu.bitcast %sub3A_500 : vector<16xi32> -> vector<16xf32>
      %mul3A_502 = arith.constant 5.000000e-01 : f32
      %mul3A_503 = vector.broadcast %mul3A_502 : f32 to vector<16xf32>
      %mul3A_504 = arith.mulf %mul3A_503, %max3A_493 : vector<16xf32>
      %mul3A_505 = arith.mulf %mul3A_504, %bitcast_convert_type3A_501 : vector<16xf32>
      %mul3A_506 = arith.mulf %mul3A_505, %bitcast_convert_type3A_501 : vector<16xf32>
      %sub3A_507 = arith.constant 1.500000e+00 : f32
      %sub3A_508 = vector.broadcast %sub3A_507 : f32 to vector<16xf32>
      %sub3A_509 = arith.subf %sub3A_508, %mul3A_506 : vector<16xf32>
      %mul3A_510 = arith.mulf %bitcast_convert_type3A_501, %sub3A_509 : vector<16xf32>
      %mul3A_511 = arith.mulf %mul3A_504, %mul3A_510 : vector<16xf32>
      %mul3A_512 = arith.mulf %mul3A_511, %mul3A_510 : vector<16xf32>
      %sub3A_513 = arith.constant 1.500000e+00 : f32
      %sub3A_514 = vector.broadcast %sub3A_513 : f32 to vector<16xf32>
      %sub3A_515 = arith.subf %sub3A_514, %mul3A_512 : vector<16xf32>
      %mul3A_516 = arith.mulf %mul3A_510, %sub3A_515 : vector<16xf32>
      %mul3A_517 = arith.mulf %mul3A_504, %mul3A_516 : vector<16xf32>
      %mul3A_518 = arith.mulf %mul3A_517, %mul3A_516 : vector<16xf32>
      %sub3A_519 = arith.constant 1.500000e+00 : f32
      %sub3A_520 = vector.broadcast %sub3A_519 : f32 to vector<16xf32>
      %sub3A_521 = arith.subf %sub3A_520, %mul3A_518 : vector<16xf32>
      %mul3A_522 = arith.mulf %mul3A_516, %sub3A_521 : vector<16xf32>
      %mul3A_523 = arith.mulf %mul3A_504, %mul3A_522 : vector<16xf32>
      %mul3A_524 = arith.mulf %mul3A_523, %mul3A_522 : vector<16xf32>
      %sub3A_525 = arith.constant 1.500000e+00 : f32
      %sub3A_526 = vector.broadcast %sub3A_525 : f32 to vector<16xf32>
      %sub3A_527 = arith.subf %sub3A_526, %mul3A_524 : vector<16xf32>
      %mul3A_528 = arith.mulf %mul3A_522, %sub3A_527 : vector<16xf32>
      %mul3A_529 = arith.mulf %mul3A_490, %mul3A_528 : vector<16xf32>
      %add3A_530 = arith.constant 64 : i32
      %add3A_531 = arith.addi %add3A_44, %add3A_530 : i32
      %add3A_532 = vector.broadcast %add3A_531 : i32 to vector<16xi32>
      %add3A_533 = arith.addi %add3A_532, %iota3A : vector<16xi32>
      %lt3A_534 = arith.constant 4096 : i32
      %lt3A_535 = vector.broadcast %lt3A_534 : i32 to vector<16xi32>
      %lt3A_536 = arith.cmpi slt, %add3A_533, %lt3A_535 : vector<16xi32>
      %sub3A_537 = arith.constant 1.000000e+00 : f32
      %sub3A_538 = vector.broadcast %sub3A_537 : f32 to vector<16xf32>
      %sub3A_539 = arith.subf %sub3A_538, %mul3A_529 : vector<16xf32>
      %sub3A_540 = arith.constant 1.000000e+00 : f32
      %sub3A_541 = vector.broadcast %sub3A_540 : f32 to vector<16xf32>
      %sub3A_542 = arith.subf %mul3A_529, %sub3A_541 : vector<16xf32>
      %max3A_543 = arith.constant 0.000000e+00 : f32
      %max3A_544 = vector.broadcast %max3A_543 : f32 to vector<16xf32>
      %max3A_545 = arith.maximumf %sub3A_542, %max3A_544 : vector<16xf32>
      %select_n3A_546 = arith.select %lt3A_536, %sub3A_539, %max3A_545 : vector<16xi1>, vector<16xf32>
      %add3A_547 = arith.addf %add3A_445, %select_n3A_546 : vector<16xf32>
      %get3A_548 = arith.constant 80 : index
      %get3A_549 = tpu.vector_load %arg11[%get3A_548] {strides = array<i32>} : memref<144xf32, #tpu.memory_space<vmem>>, vector<16xf32>,
      %get3A_550 = arith.constant 80 : index
      %get3A_551 = tpu.vector_load %arg12[%get3A_550] {strides = array<i32>} : memref<144xf32, #tpu.memory_space<vmem>>, vector<16xf32>,
      %get3A_552 = arith.constant 80 : index
      %get3A_553 = tpu.vector_load %arg13[%get3A_552] {strides = array<i32>} : memref<144xf32, #tpu.memory_space<vmem>>, vector<16xf32>,
      %max3A_554 = arith.constant 1.000000e-16 : f32
      %max3A_555 = vector.broadcast %max3A_554 : f32 to vector<16xf32>
      %max3A_556 = arith.maximumf %get3A_551, %max3A_555 : vector<16xf32>
      %bitcast_convert_type3A_557 = tpu.bitcast %max3A_556 : vector<16xf32> -> vector<16xi32>
      %shift_right_arithmetic3A_558 = arith.constant 1 : i32
      %shift_right_arithmetic3A_559 = vector.broadcast %shift_right_arithmetic3A_558 : i32 to vector<16xi32>
      %shift_right_arithmetic3A_560 = arith.shrsi %bitcast_convert_type3A_557, %shift_right_arithmetic3A_559 : vector<16xi32>
      %sub3A_561 = arith.constant 1597463007 : i32
      %sub3A_562 = vector.broadcast %sub3A_561 : i32 to vector<16xi32>
      %sub3A_563 = arith.subi %sub3A_562, %shift_right_arithmetic3A_560 : vector<16xi32>
      %bitcast_convert_type3A_564 = tpu.bitcast %sub3A_563 : vector<16xi32> -> vector<16xf32>
      %mul3A_565 = arith.constant 5.000000e-01 : f32
      %mul3A_566 = vector.broadcast %mul3A_565 : f32 to vector<16xf32>
      %mul3A_567 = arith.mulf %mul3A_566, %max3A_556 : vector<16xf32>
      %mul3A_568 = arith.mulf %mul3A_567, %bitcast_convert_type3A_564 : vector<16xf32>
      %mul3A_569 = arith.mulf %mul3A_568, %bitcast_convert_type3A_564 : vector<16xf32>
      %sub3A_570 = arith.constant 1.500000e+00 : f32
      %sub3A_571 = vector.broadcast %sub3A_570 : f32 to vector<16xf32>
      %sub3A_572 = arith.subf %sub3A_571, %mul3A_569 : vector<16xf32>
      %mul3A_573 = arith.mulf %bitcast_convert_type3A_564, %sub3A_572 : vector<16xf32>
      %mul3A_574 = arith.mulf %mul3A_567, %mul3A_573 : vector<16xf32>
      %mul3A_575 = arith.mulf %mul3A_574, %mul3A_573 : vector<16xf32>
      %sub3A_576 = arith.constant 1.500000e+00 : f32
      %sub3A_577 = vector.broadcast %sub3A_576 : f32 to vector<16xf32>
      %sub3A_578 = arith.subf %sub3A_577, %mul3A_575 : vector<16xf32>
      %mul3A_579 = arith.mulf %mul3A_573, %sub3A_578 : vector<16xf32>
      %mul3A_580 = arith.mulf %mul3A_567, %mul3A_579 : vector<16xf32>
      %mul3A_581 = arith.mulf %mul3A_580, %mul3A_579 : vector<16xf32>
      %sub3A_582 = arith.constant 1.500000e+00 : f32
      %sub3A_583 = vector.broadcast %sub3A_582 : f32 to vector<16xf32>
      %sub3A_584 = arith.subf %sub3A_583, %mul3A_581 : vector<16xf32>
      %mul3A_585 = arith.mulf %mul3A_579, %sub3A_584 : vector<16xf32>
      %mul3A_586 = arith.mulf %mul3A_567, %mul3A_585 : vector<16xf32>
      %mul3A_587 = arith.mulf %mul3A_586, %mul3A_585 : vector<16xf32>
      %sub3A_588 = arith.constant 1.500000e+00 : f32
      %sub3A_589 = vector.broadcast %sub3A_588 : f32 to vector<16xf32>
      %sub3A_590 = arith.subf %sub3A_589, %mul3A_587 : vector<16xf32>
      %mul3A_591 = arith.mulf %mul3A_585, %sub3A_590 : vector<16xf32>
      %mul3A_592 = arith.mulf %get3A_549, %mul3A_591 : vector<16xf32>
      %max3A_593 = arith.constant 1.000000e-16 : f32
      %max3A_594 = vector.broadcast %max3A_593 : f32 to vector<16xf32>
      %max3A_595 = arith.maximumf %get3A_553, %max3A_594 : vector<16xf32>
      %bitcast_convert_type3A_596 = tpu.bitcast %max3A_595 : vector<16xf32> -> vector<16xi32>
      %shift_right_arithmetic3A_597 = arith.constant 1 : i32
      %shift_right_arithmetic3A_598 = vector.broadcast %shift_right_arithmetic3A_597 : i32 to vector<16xi32>
      %shift_right_arithmetic3A_599 = arith.shrsi %bitcast_convert_type3A_596, %shift_right_arithmetic3A_598 : vector<16xi32>
      %sub3A_600 = arith.constant 1597463007 : i32
      %sub3A_601 = vector.broadcast %sub3A_600 : i32 to vector<16xi32>
      %sub3A_602 = arith.subi %sub3A_601, %shift_right_arithmetic3A_599 : vector<16xi32>
      %bitcast_convert_type3A_603 = tpu.bitcast %sub3A_602 : vector<16xi32> -> vector<16xf32>
      %mul3A_604 = arith.constant 5.000000e-01 : f32
      %mul3A_605 = vector.broadcast %mul3A_604 : f32 to vector<16xf32>
      %mul3A_606 = arith.mulf %mul3A_605, %max3A_595 : vector<16xf32>
      %mul3A_607 = arith.mulf %mul3A_606, %bitcast_convert_type3A_603 : vector<16xf32>
      %mul3A_608 = arith.mulf %mul3A_607, %bitcast_convert_type3A_603 : vector<16xf32>
      %sub3A_609 = arith.constant 1.500000e+00 : f32
      %sub3A_610 = vector.broadcast %sub3A_609 : f32 to vector<16xf32>
      %sub3A_611 = arith.subf %sub3A_610, %mul3A_608 : vector<16xf32>
      %mul3A_612 = arith.mulf %bitcast_convert_type3A_603, %sub3A_611 : vector<16xf32>
      %mul3A_613 = arith.mulf %mul3A_606, %mul3A_612 : vector<16xf32>
      %mul3A_614 = arith.mulf %mul3A_613, %mul3A_612 : vector<16xf32>
      %sub3A_615 = arith.constant 1.500000e+00 : f32
      %sub3A_616 = vector.broadcast %sub3A_615 : f32 to vector<16xf32>
      %sub3A_617 = arith.subf %sub3A_616, %mul3A_614 : vector<16xf32>
      %mul3A_618 = arith.mulf %mul3A_612, %sub3A_617 : vector<16xf32>
      %mul3A_619 = arith.mulf %mul3A_606, %mul3A_618 : vector<16xf32>
      %mul3A_620 = arith.mulf %mul3A_619, %mul3A_618 : vector<16xf32>
      %sub3A_621 = arith.constant 1.500000e+00 : f32
      %sub3A_622 = vector.broadcast %sub3A_621 : f32 to vector<16xf32>
      %sub3A_623 = arith.subf %sub3A_622, %mul3A_620 : vector<16xf32>
      %mul3A_624 = arith.mulf %mul3A_618, %sub3A_623 : vector<16xf32>
      %mul3A_625 = arith.mulf %mul3A_606, %mul3A_624 : vector<16xf32>
      %mul3A_626 = arith.mulf %mul3A_625, %mul3A_624 : vector<16xf32>
      %sub3A_627 = arith.constant 1.500000e+00 : f32
      %sub3A_628 = vector.broadcast %sub3A_627 : f32 to vector<16xf32>
      %sub3A_629 = arith.subf %sub3A_628, %mul3A_626 : vector<16xf32>
      %mul3A_630 = arith.mulf %mul3A_624, %sub3A_629 : vector<16xf32>
      %mul3A_631 = arith.mulf %mul3A_592, %mul3A_630 : vector<16xf32>
      %add3A_632 = arith.constant 80 : i32
      %add3A_633 = arith.addi %add3A_44, %add3A_632 : i32
      %add3A_634 = vector.broadcast %add3A_633 : i32 to vector<16xi32>
      %add3A_635 = arith.addi %add3A_634, %iota3A : vector<16xi32>
      %lt3A_636 = arith.constant 4096 : i32
      %lt3A_637 = vector.broadcast %lt3A_636 : i32 to vector<16xi32>
      %lt3A_638 = arith.cmpi slt, %add3A_635, %lt3A_637 : vector<16xi32>
      %sub3A_639 = arith.constant 1.000000e+00 : f32
      %sub3A_640 = vector.broadcast %sub3A_639 : f32 to vector<16xf32>
      %sub3A_641 = arith.subf %sub3A_640, %mul3A_631 : vector<16xf32>
      %sub3A_642 = arith.constant 1.000000e+00 : f32
      %sub3A_643 = vector.broadcast %sub3A_642 : f32 to vector<16xf32>
      %sub3A_644 = arith.subf %mul3A_631, %sub3A_643 : vector<16xf32>
      %max3A_645 = arith.constant 0.000000e+00 : f32
      %max3A_646 = vector.broadcast %max3A_645 : f32 to vector<16xf32>
      %max3A_647 = arith.maximumf %sub3A_644, %max3A_646 : vector<16xf32>
      %select_n3A_648 = arith.select %lt3A_638, %sub3A_641, %max3A_647 : vector<16xi1>, vector<16xf32>
      %add3A_649 = arith.addf %add3A_547, %select_n3A_648 : vector<16xf32>
      %get3A_650 = arith.constant 96 : index
      %get3A_651 = tpu.vector_load %arg11[%get3A_650] {strides = array<i32>} : memref<144xf32, #tpu.memory_space<vmem>>, vector<16xf32>,
      %get3A_652 = arith.constant 96 : index
      %get3A_653 = tpu.vector_load %arg12[%get3A_652] {strides = array<i32>} : memref<144xf32, #tpu.memory_space<vmem>>, vector<16xf32>,
      %get3A_654 = arith.constant 96 : index
      %get3A_655 = tpu.vector_load %arg13[%get3A_654] {strides = array<i32>} : memref<144xf32, #tpu.memory_space<vmem>>, vector<16xf32>,
      %max3A_656 = arith.constant 1.000000e-16 : f32
      %max3A_657 = vector.broadcast %max3A_656 : f32 to vector<16xf32>
      %max3A_658 = arith.maximumf %get3A_653, %max3A_657 : vector<16xf32>
      %bitcast_convert_type3A_659 = tpu.bitcast %max3A_658 : vector<16xf32> -> vector<16xi32>
      %shift_right_arithmetic3A_660 = arith.constant 1 : i32
      %shift_right_arithmetic3A_661 = vector.broadcast %shift_right_arithmetic3A_660 : i32 to vector<16xi32>
      %shift_right_arithmetic3A_662 = arith.shrsi %bitcast_convert_type3A_659, %shift_right_arithmetic3A_661 : vector<16xi32>
      %sub3A_663 = arith.constant 1597463007 : i32
      %sub3A_664 = vector.broadcast %sub3A_663 : i32 to vector<16xi32>
      %sub3A_665 = arith.subi %sub3A_664, %shift_right_arithmetic3A_662 : vector<16xi32>
      %bitcast_convert_type3A_666 = tpu.bitcast %sub3A_665 : vector<16xi32> -> vector<16xf32>
      %mul3A_667 = arith.constant 5.000000e-01 : f32
      %mul3A_668 = vector.broadcast %mul3A_667 : f32 to vector<16xf32>
      %mul3A_669 = arith.mulf %mul3A_668, %max3A_658 : vector<16xf32>
      %mul3A_670 = arith.mulf %mul3A_669, %bitcast_convert_type3A_666 : vector<16xf32>
      %mul3A_671 = arith.mulf %mul3A_670, %bitcast_convert_type3A_666 : vector<16xf32>
      %sub3A_672 = arith.constant 1.500000e+00 : f32
      %sub3A_673 = vector.broadcast %sub3A_672 : f32 to vector<16xf32>
      %sub3A_674 = arith.subf %sub3A_673, %mul3A_671 : vector<16xf32>
      %mul3A_675 = arith.mulf %bitcast_convert_type3A_666, %sub3A_674 : vector<16xf32>
      %mul3A_676 = arith.mulf %mul3A_669, %mul3A_675 : vector<16xf32>
      %mul3A_677 = arith.mulf %mul3A_676, %mul3A_675 : vector<16xf32>
      %sub3A_678 = arith.constant 1.500000e+00 : f32
      %sub3A_679 = vector.broadcast %sub3A_678 : f32 to vector<16xf32>
      %sub3A_680 = arith.subf %sub3A_679, %mul3A_677 : vector<16xf32>
      %mul3A_681 = arith.mulf %mul3A_675, %sub3A_680 : vector<16xf32>
      %mul3A_682 = arith.mulf %mul3A_669, %mul3A_681 : vector<16xf32>
      %mul3A_683 = arith.mulf %mul3A_682, %mul3A_681 : vector<16xf32>
      %sub3A_684 = arith.constant 1.500000e+00 : f32
      %sub3A_685 = vector.broadcast %sub3A_684 : f32 to vector<16xf32>
      %sub3A_686 = arith.subf %sub3A_685, %mul3A_683 : vector<16xf32>
      %mul3A_687 = arith.mulf %mul3A_681, %sub3A_686 : vector<16xf32>
      %mul3A_688 = arith.mulf %mul3A_669, %mul3A_687 : vector<16xf32>
      %mul3A_689 = arith.mulf %mul3A_688, %mul3A_687 : vector<16xf32>
      %sub3A_690 = arith.constant 1.500000e+00 : f32
      %sub3A_691 = vector.broadcast %sub3A_690 : f32 to vector<16xf32>
      %sub3A_692 = arith.subf %sub3A_691, %mul3A_689 : vector<16xf32>
      %mul3A_693 = arith.mulf %mul3A_687, %sub3A_692 : vector<16xf32>
      %mul3A_694 = arith.mulf %get3A_651, %mul3A_693 : vector<16xf32>
      %max3A_695 = arith.constant 1.000000e-16 : f32
      %max3A_696 = vector.broadcast %max3A_695 : f32 to vector<16xf32>
      %max3A_697 = arith.maximumf %get3A_655, %max3A_696 : vector<16xf32>
      %bitcast_convert_type3A_698 = tpu.bitcast %max3A_697 : vector<16xf32> -> vector<16xi32>
      %shift_right_arithmetic3A_699 = arith.constant 1 : i32
      %shift_right_arithmetic3A_700 = vector.broadcast %shift_right_arithmetic3A_699 : i32 to vector<16xi32>
      %shift_right_arithmetic3A_701 = arith.shrsi %bitcast_convert_type3A_698, %shift_right_arithmetic3A_700 : vector<16xi32>
      %sub3A_702 = arith.constant 1597463007 : i32
      %sub3A_703 = vector.broadcast %sub3A_702 : i32 to vector<16xi32>
      %sub3A_704 = arith.subi %sub3A_703, %shift_right_arithmetic3A_701 : vector<16xi32>
      %bitcast_convert_type3A_705 = tpu.bitcast %sub3A_704 : vector<16xi32> -> vector<16xf32>
      %mul3A_706 = arith.constant 5.000000e-01 : f32
      %mul3A_707 = vector.broadcast %mul3A_706 : f32 to vector<16xf32>
      %mul3A_708 = arith.mulf %mul3A_707, %max3A_697 : vector<16xf32>
      %mul3A_709 = arith.mulf %mul3A_708, %bitcast_convert_type3A_705 : vector<16xf32>
      %mul3A_710 = arith.mulf %mul3A_709, %bitcast_convert_type3A_705 : vector<16xf32>
      %sub3A_711 = arith.constant 1.500000e+00 : f32
      %sub3A_712 = vector.broadcast %sub3A_711 : f32 to vector<16xf32>
      %sub3A_713 = arith.subf %sub3A_712, %mul3A_710 : vector<16xf32>
      %mul3A_714 = arith.mulf %bitcast_convert_type3A_705, %sub3A_713 : vector<16xf32>
      %mul3A_715 = arith.mulf %mul3A_708, %mul3A_714 : vector<16xf32>
      %mul3A_716 = arith.mulf %mul3A_715, %mul3A_714 : vector<16xf32>
      %sub3A_717 = arith.constant 1.500000e+00 : f32
      %sub3A_718 = vector.broadcast %sub3A_717 : f32 to vector<16xf32>
      %sub3A_719 = arith.subf %sub3A_718, %mul3A_716 : vector<16xf32>
      %mul3A_720 = arith.mulf %mul3A_714, %sub3A_719 : vector<16xf32>
      %mul3A_721 = arith.mulf %mul3A_708, %mul3A_720 : vector<16xf32>
      %mul3A_722 = arith.mulf %mul3A_721, %mul3A_720 : vector<16xf32>
      %sub3A_723 = arith.constant 1.500000e+00 : f32
      %sub3A_724 = vector.broadcast %sub3A_723 : f32 to vector<16xf32>
      %sub3A_725 = arith.subf %sub3A_724, %mul3A_722 : vector<16xf32>
      %mul3A_726 = arith.mulf %mul3A_720, %sub3A_725 : vector<16xf32>
      %mul3A_727 = arith.mulf %mul3A_708, %mul3A_726 : vector<16xf32>
      %mul3A_728 = arith.mulf %mul3A_727, %mul3A_726 : vector<16xf32>
      %sub3A_729 = arith.constant 1.500000e+00 : f32
      %sub3A_730 = vector.broadcast %sub3A_729 : f32 to vector<16xf32>
      %sub3A_731 = arith.subf %sub3A_730, %mul3A_728 : vector<16xf32>
      %mul3A_732 = arith.mulf %mul3A_726, %sub3A_731 : vector<16xf32>
      %mul3A_733 = arith.mulf %mul3A_694, %mul3A_732 : vector<16xf32>
      %add3A_734 = arith.constant 96 : i32
      %add3A_735 = arith.addi %add3A_44, %add3A_734 : i32
      %add3A_736 = vector.broadcast %add3A_735 : i32 to vector<16xi32>
      %add3A_737 = arith.addi %add3A_736, %iota3A : vector<16xi32>
      %lt3A_738 = arith.constant 4096 : i32
      %lt3A_739 = vector.broadcast %lt3A_738 : i32 to vector<16xi32>
      %lt3A_740 = arith.cmpi slt, %add3A_737, %lt3A_739 : vector<16xi32>
      %sub3A_741 = arith.constant 1.000000e+00 : f32
      %sub3A_742 = vector.broadcast %sub3A_741 : f32 to vector<16xf32>
      %sub3A_743 = arith.subf %sub3A_742, %mul3A_733 : vector<16xf32>
      %sub3A_744 = arith.constant 1.000000e+00 : f32
      %sub3A_745 = vector.broadcast %sub3A_744 : f32 to vector<16xf32>
      %sub3A_746 = arith.subf %mul3A_733, %sub3A_745 : vector<16xf32>
      %max3A_747 = arith.constant 0.000000e+00 : f32
      %max3A_748 = vector.broadcast %max3A_747 : f32 to vector<16xf32>
      %max3A_749 = arith.maximumf %sub3A_746, %max3A_748 : vector<16xf32>
      %select_n3A_750 = arith.select %lt3A_740, %sub3A_743, %max3A_749 : vector<16xi1>, vector<16xf32>
      %add3A_751 = arith.addf %add3A_649, %select_n3A_750 : vector<16xf32>
      %get3A_752 = arith.constant 112 : index
      %get3A_753 = tpu.vector_load %arg11[%get3A_752] {strides = array<i32>} : memref<144xf32, #tpu.memory_space<vmem>>, vector<16xf32>,
      %get3A_754 = arith.constant 112 : index
      %get3A_755 = tpu.vector_load %arg12[%get3A_754] {strides = array<i32>} : memref<144xf32, #tpu.memory_space<vmem>>, vector<16xf32>,
      %get3A_756 = arith.constant 112 : index
      %get3A_757 = tpu.vector_load %arg13[%get3A_756] {strides = array<i32>} : memref<144xf32, #tpu.memory_space<vmem>>, vector<16xf32>,
      %max3A_758 = arith.constant 1.000000e-16 : f32
      %max3A_759 = vector.broadcast %max3A_758 : f32 to vector<16xf32>
      %max3A_760 = arith.maximumf %get3A_755, %max3A_759 : vector<16xf32>
      %bitcast_convert_type3A_761 = tpu.bitcast %max3A_760 : vector<16xf32> -> vector<16xi32>
      %shift_right_arithmetic3A_762 = arith.constant 1 : i32
      %shift_right_arithmetic3A_763 = vector.broadcast %shift_right_arithmetic3A_762 : i32 to vector<16xi32>
      %shift_right_arithmetic3A_764 = arith.shrsi %bitcast_convert_type3A_761, %shift_right_arithmetic3A_763 : vector<16xi32>
      %sub3A_765 = arith.constant 1597463007 : i32
      %sub3A_766 = vector.broadcast %sub3A_765 : i32 to vector<16xi32>
      %sub3A_767 = arith.subi %sub3A_766, %shift_right_arithmetic3A_764 : vector<16xi32>
      %bitcast_convert_type3A_768 = tpu.bitcast %sub3A_767 : vector<16xi32> -> vector<16xf32>
      %mul3A_769 = arith.constant 5.000000e-01 : f32
      %mul3A_770 = vector.broadcast %mul3A_769 : f32 to vector<16xf32>
      %mul3A_771 = arith.mulf %mul3A_770, %max3A_760 : vector<16xf32>
      %mul3A_772 = arith.mulf %mul3A_771, %bitcast_convert_type3A_768 : vector<16xf32>
      %mul3A_773 = arith.mulf %mul3A_772, %bitcast_convert_type3A_768 : vector<16xf32>
      %sub3A_774 = arith.constant 1.500000e+00 : f32
      %sub3A_775 = vector.broadcast %sub3A_774 : f32 to vector<16xf32>
      %sub3A_776 = arith.subf %sub3A_775, %mul3A_773 : vector<16xf32>
      %mul3A_777 = arith.mulf %bitcast_convert_type3A_768, %sub3A_776 : vector<16xf32>
      %mul3A_778 = arith.mulf %mul3A_771, %mul3A_777 : vector<16xf32>
      %mul3A_779 = arith.mulf %mul3A_778, %mul3A_777 : vector<16xf32>
      %sub3A_780 = arith.constant 1.500000e+00 : f32
      %sub3A_781 = vector.broadcast %sub3A_780 : f32 to vector<16xf32>
      %sub3A_782 = arith.subf %sub3A_781, %mul3A_779 : vector<16xf32>
      %mul3A_783 = arith.mulf %mul3A_777, %sub3A_782 : vector<16xf32>
      %mul3A_784 = arith.mulf %mul3A_771, %mul3A_783 : vector<16xf32>
      %mul3A_785 = arith.mulf %mul3A_784, %mul3A_783 : vector<16xf32>
      %sub3A_786 = arith.constant 1.500000e+00 : f32
      %sub3A_787 = vector.broadcast %sub3A_786 : f32 to vector<16xf32>
      %sub3A_788 = arith.subf %sub3A_787, %mul3A_785 : vector<16xf32>
      %mul3A_789 = arith.mulf %mul3A_783, %sub3A_788 : vector<16xf32>
      %mul3A_790 = arith.mulf %mul3A_771, %mul3A_789 : vector<16xf32>
      %mul3A_791 = arith.mulf %mul3A_790, %mul3A_789 : vector<16xf32>
      %sub3A_792 = arith.constant 1.500000e+00 : f32
      %sub3A_793 = vector.broadcast %sub3A_792 : f32 to vector<16xf32>
      %sub3A_794 = arith.subf %sub3A_793, %mul3A_791 : vector<16xf32>
      %mul3A_795 = arith.mulf %mul3A_789, %sub3A_794 : vector<16xf32>
      %mul3A_796 = arith.mulf %get3A_753, %mul3A_795 : vector<16xf32>
      %max3A_797 = arith.constant 1.000000e-16 : f32
      %max3A_798 = vector.broadcast %max3A_797 : f32 to vector<16xf32>
      %max3A_799 = arith.maximumf %get3A_757, %max3A_798 : vector<16xf32>
      %bitcast_convert_type3A_800 = tpu.bitcast %max3A_799 : vector<16xf32> -> vector<16xi32>
      %shift_right_arithmetic3A_801 = arith.constant 1 : i32
      %shift_right_arithmetic3A_802 = vector.broadcast %shift_right_arithmetic3A_801 : i32 to vector<16xi32>
      %shift_right_arithmetic3A_803 = arith.shrsi %bitcast_convert_type3A_800, %shift_right_arithmetic3A_802 : vector<16xi32>
      %sub3A_804 = arith.constant 1597463007 : i32
      %sub3A_805 = vector.broadcast %sub3A_804 : i32 to vector<16xi32>
      %sub3A_806 = arith.subi %sub3A_805, %shift_right_arithmetic3A_803 : vector<16xi32>
      %bitcast_convert_type3A_807 = tpu.bitcast %sub3A_806 : vector<16xi32> -> vector<16xf32>
      %mul3A_808 = arith.constant 5.000000e-01 : f32
      %mul3A_809 = vector.broadcast %mul3A_808 : f32 to vector<16xf32>
      %mul3A_810 = arith.mulf %mul3A_809, %max3A_799 : vector<16xf32>
      %mul3A_811 = arith.mulf %mul3A_810, %bitcast_convert_type3A_807 : vector<16xf32>
      %mul3A_812 = arith.mulf %mul3A_811, %bitcast_convert_type3A_807 : vector<16xf32>
      %sub3A_813 = arith.constant 1.500000e+00 : f32
      %sub3A_814 = vector.broadcast %sub3A_813 : f32 to vector<16xf32>
      %sub3A_815 = arith.subf %sub3A_814, %mul3A_812 : vector<16xf32>
      %mul3A_816 = arith.mulf %bitcast_convert_type3A_807, %sub3A_815 : vector<16xf32>
      %mul3A_817 = arith.mulf %mul3A_810, %mul3A_816 : vector<16xf32>
      %mul3A_818 = arith.mulf %mul3A_817, %mul3A_816 : vector<16xf32>
      %sub3A_819 = arith.constant 1.500000e+00 : f32
      %sub3A_820 = vector.broadcast %sub3A_819 : f32 to vector<16xf32>
      %sub3A_821 = arith.subf %sub3A_820, %mul3A_818 : vector<16xf32>
      %mul3A_822 = arith.mulf %mul3A_816, %sub3A_821 : vector<16xf32>
      %mul3A_823 = arith.mulf %mul3A_810, %mul3A_822 : vector<16xf32>
      %mul3A_824 = arith.mulf %mul3A_823, %mul3A_822 : vector<16xf32>
      %sub3A_825 = arith.constant 1.500000e+00 : f32
      %sub3A_826 = vector.broadcast %sub3A_825 : f32 to vector<16xf32>
      %sub3A_827 = arith.subf %sub3A_826, %mul3A_824 : vector<16xf32>
      %mul3A_828 = arith.mulf %mul3A_822, %sub3A_827 : vector<16xf32>
      %mul3A_829 = arith.mulf %mul3A_810, %mul3A_828 : vector<16xf32>
      %mul3A_830 = arith.mulf %mul3A_829, %mul3A_828 : vector<16xf32>
      %sub3A_831 = arith.constant 1.500000e+00 : f32
      %sub3A_832 = vector.broadcast %sub3A_831 : f32 to vector<16xf32>
      %sub3A_833 = arith.subf %sub3A_832, %mul3A_830 : vector<16xf32>
      %mul3A_834 = arith.mulf %mul3A_828, %sub3A_833 : vector<16xf32>
      %mul3A_835 = arith.mulf %mul3A_796, %mul3A_834 : vector<16xf32>
      %add3A_836 = arith.constant 112 : i32
      %add3A_837 = arith.addi %add3A_44, %add3A_836 : i32
      %add3A_838 = vector.broadcast %add3A_837 : i32 to vector<16xi32>
      %add3A_839 = arith.addi %add3A_838, %iota3A : vector<16xi32>
      %lt3A_840 = arith.constant 4096 : i32
      %lt3A_841 = vector.broadcast %lt3A_840 : i32 to vector<16xi32>
      %lt3A_842 = arith.cmpi slt, %add3A_839, %lt3A_841 : vector<16xi32>
      %sub3A_843 = arith.constant 1.000000e+00 : f32
      %sub3A_844 = vector.broadcast %sub3A_843 : f32 to vector<16xf32>
      %sub3A_845 = arith.subf %sub3A_844, %mul3A_835 : vector<16xf32>
      %sub3A_846 = arith.constant 1.000000e+00 : f32
      %sub3A_847 = vector.broadcast %sub3A_846 : f32 to vector<16xf32>
      %sub3A_848 = arith.subf %mul3A_835, %sub3A_847 : vector<16xf32>
      %max3A_849 = arith.constant 0.000000e+00 : f32
      %max3A_850 = vector.broadcast %max3A_849 : f32 to vector<16xf32>
      %max3A_851 = arith.maximumf %sub3A_848, %max3A_850 : vector<16xf32>
      %select_n3A_852 = arith.select %lt3A_842, %sub3A_845, %max3A_851 : vector<16xi1>, vector<16xf32>
      %add3A_853 = arith.addf %add3A_751, %select_n3A_852 : vector<16xf32>
      scf.yield %add3A_853 : vector<16xf32>
    }
    %scan3A_8 = arith.constant 21 : i32
    %swap3A = arith.constant 0 : index
    %swap3A_9 = tpu.vector_load %arg14[%swap3A] {strides = array<i32>} : memref<16xf32, #tpu.memory_space<vmem>>, vector<16xf32>,
    tpu.vector_store %arg14[%swap3A], %scan3A_7 {strides = array<i32>} : memref<16xf32, #tpu.memory_space<vmem>>, vector<16xf32>,
    "tpu.region"() ({
      %run_scoped3A = tpu.sem_alloc : memref<!tpu.dma_semaphore, #tpu.memory_space<semaphore_mem>>
      %dma_start3A = arith.constant 0 : i32
      %dma_start3A_10 = tpu.memref_slice %arg6[%add3A, %dma_start3A] : memref<32x16xf32, #tpu.memory_space<hbm>> -> memref<1x16xf32, #tpu.memory_space<hbm>>
      %dma_start3A_11 = tpu.memref_squeeze %dma_start3A_10 : memref<1x16xf32, #tpu.memory_space<hbm>> -> memref<16xf32, #tpu.memory_space<hbm>>
      %dma_start3A_12 = arith.constant 0 : i32
      %dma_start3A_13 = tpu.memref_slice %arg6[%add3A, %dma_start3A_12] : memref<32x16xf32, #tpu.memory_space<hbm>> -> memref<1x16xf32, #tpu.memory_space<hbm>>
      %dma_start3A_14 = tpu.memref_squeeze %dma_start3A_13 : memref<1x16xf32, #tpu.memory_space<hbm>> -> memref<16xf32, #tpu.memory_space<hbm>>
      tpu.enqueue_dma source(%arg14 : memref<16xf32, #tpu.memory_space<vmem>>) target(%dma_start3A_14 : memref<16xf32, #tpu.memory_space<hbm>>) target_semaphore(%run_scoped3A : memref<!tpu.dma_semaphore, #tpu.memory_space<semaphore_mem>>)
      %dma_wait3A = arith.constant 0 : i32
      %dma_wait3A_15 = tpu.memref_slice %arg6[%add3A, %dma_wait3A] : memref<32x16xf32, #tpu.memory_space<hbm>> -> memref<1x16xf32, #tpu.memory_space<hbm>>
      %dma_wait3A_16 = tpu.memref_squeeze %dma_wait3A_15 : memref<1x16xf32, #tpu.memory_space<hbm>> -> memref<16xf32, #tpu.memory_space<hbm>>
      %dma_wait3A_17 = arith.constant 0 : i32
      %dma_wait3A_18 = tpu.memref_slice %arg6[%add3A, %dma_wait3A_17] : memref<32x16xf32, #tpu.memory_space<hbm>> -> memref<1x16xf32, #tpu.memory_space<hbm>>
      %dma_wait3A_19 = tpu.memref_squeeze %dma_wait3A_18 : memref<1x16xf32, #tpu.memory_space<hbm>> -> memref<16xf32, #tpu.memory_space<hbm>>
      tpu.wait_dma2 semaphore(%run_scoped3A : memref<!tpu.dma_semaphore, #tpu.memory_space<semaphore_mem>>) src(%arg14 : memref<16xf32, #tpu.memory_space<vmem>>) dst(%dma_wait3A_19 : memref<16xf32, #tpu.memory_space<hbm>>)
      tpu.yield
    }) : () -> ()
    return
  }
}

</mosaic_0001>

<sc_bundles>
// kernel: kernel.3.cloned.1.call-start
scs
__scs_entry_jumppad:
0x0: {  	(pc) =	sbr.rel $0x88, $3  }
0x1: {  	(tag) =	ssettag $0x0;
	lr =	simm.s32 $0x1  }
0x2: {  	[smem:$0x3F9D] =	sst lr;
	_ =	strace $0xD0000000  }
0x3: {  	_ = 	snop  }
0x4: {  	_ = 	snop  }
0x5: {  	_ = 	snop  }
0x6: {  	_ = 	snop  }
0x7: {  	_ = 	snop  }
__scs_overlays_trampoline_lowered:
0x8: {  	[smem:$0x3FAC] =	sst s0  }
0x9: {  	[smem:$0x3FAD] =	sst s1  }
0xa: {  	[smem:$0x3FAE] =	sst s2  }
0xb: {  	[smem:$0x3FAF] =	sst s3  }
0xc: {  	[smem:$0x3FB0] =	sst s4  }
0xd: {  	[smem:$0x3FB1] =	sst s5  }
0xe: {  	[smem:$0x3FB2] =	sst s6  }
0xf: {  	[smem:$0x3FB3] =	sst s7  }
0x10: {  	[smem:$0x3FB4] =	sst s8  }
0x11: {  	[smem:$0x3FB5] =	sst s9;
	s0 =	simm.s32 @!p0 $0x0  }
0x12: {  	s1 =	sld [smem:$0x3F9B];
	s0 =	simm.s32 @p0 $0x1  }
0x13: {  	[smem:$0x3FB6] =	sst s0;
	s0 =	simm.s32 @!p1 $0x0  }
0x14: {  	s2 =	sld [smem:$0x3F9A];
	s0 =	simm.s32 @p1 $0x1  }
0x15: {  	[smem:$0x3FB7] =	sst s0;
	s0 =	simm.s32 @!p2 $0x0  }
0x16: {  	s3 =	sld [smem:$0x3FDB];
	s0 =	simm.s32 @p2 $0x1  }
0x17: {  	s4 =	simm.s32 $0x1BF5;
	[smem:$0x3FB9] =	sst s0  }
0x18: {  	s0 =	sld [smem:$0x3F9C];
	_ =	swait.ge [sflag:s4], $0x0  }
0x19: {  	s7 =	sld [smem:$0x3F9D]  }
0x1a: {  	s8 =	sadd.s32 $0xFFFFE003, lr  }
0x1b: {  	s9 =	sadd.s32 $0xFFFFFEF7, lr;
	s5 =	simm.s32 $0xFFFFFFFF;
	p2 =	slt.u32 s8, $0xFFFFF086  }
0x1c: {  	p1 =	slt.u32 s9, $0xF7A;
	s5 =	simm.s32 @!p2 $0x0  }
0x1d: {  	s5 =	simm.s32 @p1 $0x1;
	p0 =	seq.s32 s7, s2  }
0x1e: {  	s7 =	smul.u32 @!p0 $0xF7A, s2;
	p2 =	seq.s32 @!p0 s5, $0x0  }
0x1f: {  	s9 =	smul.u32 $0xF7A, s1;
	s8 =	simm.s32 @!p0 $0x1BF5;
	p2 =	por !p2, p0  }
0x20: {  	[sflag:s8] =	ssyncset.s32 @!p0 $0xFFFFF086;
	s6 =	sadd.s32 @!p0 s3, s7;
	s7 =	simm.s32 @!p0 $0x108  }
0x21: {  	s3 =	sadd.s32 s3, s9;
	s6 =	sadd.s32 @!p0 $0x88, s6;
	s7 =	simm.s32 @p2 $0x1082  }
0x22: {  	[simem:s7], [sflag:s8] =	dma.local @!p0 [hbm:s6], $0xF7A  }
0x23: {  	s9 =	sor.u32 $0xD0000000, s2;
	s6 =	simm.s32 $0x108;
	_ =	swait.ge @!p0 [sflag:s8], $0x0  }
0x24: {  	s3 =	sadd.s32 $0x88, s3;
	s6 =	simm.s32 @!p1 $0x1082;
	[sflag:s4] =	ssyncset.s32 $0xFFFFF086  }
0x25: {  	[simem:s6], [sflag:s4] =	dma.local [hbm:s3], $0xF7A  }
0x26: {  	[smem:$0x3F9D] =	sst s1;
	(tag) =	ssettag s2;
	_ =	strace s9  }
0x27: {  	s1 =	sld [smem:$0x3FAD]  }
0x28: {  	s2 =	sld [smem:$0x3FAE]  }
0x29: {  	s4 =	sld [smem:$0x3FB0]  }
0x2a: {  	p0 =	seq.s32 s5, $0x0;
	s5 =	sld [smem:$0x3FB1]  }
0x2b: {  	s6 =	sld [smem:$0x3FB2]  }
0x2c: {  	s7 =	sld [smem:$0x3FB3]  }
0x2d: {  	s3 =	simm.s32 $0x108;
	s8 =	sld [smem:$0x3FB4]  }
0x2e: {  	s3 =	simm.s32 @!p0 $0x1082;
	s9 =	sld [smem:$0x3FB5]  }
0x2f: {  	lr =	sadd.s32 s0, s3;
	s0 =	sld [smem:$0x3FAC]  }
0x30: {  	s3 =	sld [smem:$0x3FAF]  }
0x31: {  	[smem:$0x3FB8] =	sst s10  }
0x32: {  	s10 =	sld [smem:$0x3FB6];
	_ =	sdelay $0x3  }
0x33: {  	p0 =	seq.s32 s10, $0x1;
	s10 =	sld [smem:$0x3FB8];
	_ =	sdelay $0x3  }
0x34: {  	[smem:$0x3FB8] =	sst s10  }
0x35: {  	s10 =	sld [smem:$0x3FB7];
	_ =	sdelay $0x3  }
0x36: {  	p1 =	seq.s32 s10, $0x1;
	s10 =	sld [smem:$0x3FB8];
	_ =	sdelay $0x3  }
0x37: {  	[smem:$0x3FB8] =	sst s10  }
0x38: {  	s10 =	sld [smem:$0x3FB9]  }
0x39: {  	_ = 	snop;
	(pc) =	sbr.ind lr, $3  }
0x3a: {  	_ = 	snop  }
0x3b: {  	_ = 	snop  }
0x3c: {  	p2 =	seq.s32 s10, $0x1;
	s10 =	sld [smem:$0x3FB8]  }
0x3d: {  	_ =	shalt  }
0x3e: {  	_ =	shalt  }
0x3f: {  	_ =	shalt  }
0x40: {  	_ =	shalt  }
0x41: {  	_ =	shalt  }
0x42: {  	_ =	shalt  }
0x43: {  	_ =	shalt  }
0x44: {  	_ =	shalt  }
0x45: {  	_ =	shalt  }
0x46: {  	_ =	shalt  }
0x47: {  	_ =	shalt  }
0x48: {  	_ =	shalt  }
0x49: {  	_ =	shalt  }
0x4a: {  	_ =	shalt  }
0x4b: {  	_ =	shalt  }
0x4c: {  	_ =	shalt  }
0x4d: {  	_ =	shalt  }
0x4e: {  	_ =	shalt  }
0x4f: {  	_ =	shalt  }
0x50: {  	_ =	shalt  }
0x51: {  	_ =	shalt  }
0x52: {  	_ =	shalt  }
0x53: {  	_ =	shalt  }
0x54: {  	_ =	shalt  }
0x55: {  	_ =	shalt  }
0x56: {  	_ =	shalt  }
0x57: {  	_ =	shalt  }
0x58: {  	_ =	shalt  }
0x59: {  	_ =	shalt  }
0x5a: {  	_ =	shalt  }
0x5b: {  	_ =	shalt  }
0x5c: {  	_ =	shalt  }
0x5d: {  	_ =	shalt  }
0x5e: {  	_ =	shalt  }
0x5f: {  	_ =	shalt  }
0x60: {  	_ =	shalt  }
0x61: {  	_ =	shalt  }
0x62: {  	_ =	shalt  }
0x63: {  	_ =	shalt  }
0x64: {  	_ =	shalt  }
0x65: {  	_ =	shalt  }
0x66: {  	_ =	shalt  }
0x67: {  	_ =	shalt  }
0x68: {  	_ =	shalt  }
0x69: {  	_ =	shalt  }
0x6a: {  	_ =	shalt  }
0x6b: {  	_ =	shalt  }
0x6c: {  	_ =	shalt  }
0x6d: {  	_ =	shalt  }
0x6e: {  	_ =	shalt  }
0x6f: {  	_ =	shalt  }
0x70: {  	_ =	shalt  }
0x71: {  	_ =	shalt  }
0x72: {  	_ =	shalt  }
0x73: {  	_ =	shalt  }
0x74: {  	_ =	shalt  }
0x75: {  	_ =	shalt  }
0x76: {  	_ =	shalt  }
0x77: {  	_ =	shalt  }
0x78: {  	_ =	shalt  }
0x79: {  	_ =	shalt  }
0x7a: {  	_ =	shalt  }
0x7b: {  	_ =	shalt  }
0x7c: {  	_ =	shalt  }
0x7d: {  	_ =	shalt  }
0x7e: {  	_ =	shalt  }
0x7f: {  	_ =	shalt  }
0x80: {  	_ =	shalt  }
0x81: {  	_ =	shalt  }
0x82: {  	_ =	shalt  }
0x83: {  	_ =	shalt  }
0x84: {  	_ =	shalt  }
0x85: {  	_ =	shalt  }
0x86: {  	_ =	shalt  }
0x87: {  	_ =	shalt  }
.Lfunc_end0:
.L_simem_size_0:
called_computation_lowered:
.L_overlay_start_0:
0x88: {  	s2 =	sld [smem:$0x3FD9]  }
0x89: {  	s3 =	sld [smem:$0x3FFE];
	_ =	sdelay $0x1  }
0x8a: {  	s1 =	srdreg.scid  }
0x8b: {  	s0 =	sand.u32 $0x1, s1  }
0x8c: {  	s17 =	sshll.u32 s0, $0xA;
	s2 =	sadd.s32 s3, s2  }
0x8d: {  	s2 =	sadd.s32 s2, s17  }
0x8e: {  	[smem:$0x3FC4] =	sst s2  }
0x8f: {  	_ = 	snop  }
0x90: {  	s2 =	sld [smem:$0x3FC9]  }
0x91: {  	s18 =	sld [smem:$0x3FC8];
	(tm) =	ssettm $0x1  }
0x92: {  	s4 =	sld [smem:$0x3FFB];
	_ =	sdelay $0x3  }
0x93: {  	_ =	strace s4  }
0x94: {  	s4 =	sld [smem:$0x3FFC];
	_ =	sdelay $0x3  }
0x95: {  	_ =	strace s4  }
0x96: {  	s4 =	sld [smem:$0x3FFD];
	_ =	sdelay $0x3  }
0x97: {  	_ =	strace s4  }
0x98: {  	_ =	strace $0x8FFFFFFF  }
0x99: {  	s19 =	sld [smem:$0x3FDB];
	_ =	sdelay $0x1  }
0x9a: {  	s5 =	simm.s32 $_scs_section_size  }
0x9b: {  	s6 =	simm.s32 $_size__tile_overlayer_lowered;
	s7 =	simm.s32 $_tile_overlayer_lowered  }
0x9c: {  	s22 =	simm.s32 $0x1BFF;
	s21 =	sshll.u32 s7, $0x1;
	s4 =	sadd.s32 s5, s19  }
0x9d: {  	s8 =	simm.s32 $0x0;
	s20 =	sshll.u32 s6, $0x1;
	s6 =	sadd.s32 s21, s4  }
0x9e: {  	[timem:s8], [sflag:s22] =	dma.local [hbm:s6], s20  }
0x9f: {  	_ =	swait.ge [sflag:s22], s20  }
0xa0: {  	s5 =	ssub.s32 $0x0, s20;
	[sflag:s22] =	ssyncset.done $0x0  }
0xa1: {  	[sflag:s22] =	ssyncadd.s32 s5;
	_ =	sdelay $0x1  }
0xa2: {  	s23 =	simm.s32 $0x1B8B  }
0xa3: {  	_ =	swait.ge [sflag:s23], $0x1  }
0xa4: {  	[sflag:s23] =	ssyncset.done $0x0  }
0xa5: {  	s25 =	simm.s32 $0x1B8E;
	s24 =	sld [smem:$0x3FFE];
	[sflag:s23] =	ssyncadd.s32 $0xFFFFFFFF  }
0xa6: {  	s26 =	simm.s32 $execute0_lowered;
	[smem:$0x3FD2] =	sst s25  }
0xa7: {  	s6 =	sshll.u32 s26, $0x1;
	_ =	strace $0x80000046;
	[dreg:$0x1] =	wrdreg $0xFFFFFFFF  }
0xa8: {  	s28 =	simm.s32 $_size_execute0_lowered;
	s4 =	sadd.s32 s4, s6;
	[dreg:$0x0] =	wrdreg $0x0  }
0xa9: {  	s6 =	sshll.u32 s28, $0x1;
	[dreg:$0x2] =	wrdreg s4  }
0xaa: {  	[dreg:$0x3] =	wrdreg s6  }
0xab: {  	[dreg:$0x4] =	wrdreg $0xC0  }
0xac: {  	_ =	task [dreg:s8], $0x5FFFF  }
0xad: {  	[dreg:$0x1] =	wrdreg $0xFFFFFFFF  }
0xae: {  	[dreg:$0x0] =	wrdreg $0x60  }
0xaf: {  	[dreg:$0x2] =	wrdreg s24  }
0xb0: {  	[dreg:$0x3] =	wrdreg s2  }
0xb1: {  	[dreg:$0x4] =	wrdreg s18  }
0xb2: {  	[dreg:$0x5] =	wrdreg $0x9  }
0xb3: {  	_ =	task.clear_ibuf [dreg:s8], $0x6FFFF;
	_ =	strace $0x90000046  }
0xb4: {  	s29 =	simm.s32 $0x9;
	_ =	strace $0x80000048  }
0xb5: {  	_ =	swait.ge [sflag:s29], $0x1  }
0xb6: {  	[sflag:s29] =	ssyncadd.s32 $0xFFFFFFFF  }
0xb7: {  	_ =	strace $0x90000048  }
0xb8: {  	_ =	sfence  }
0xb9: {  	s30 =	sld [smem:$0x0];
	_ =	sdelay $0x2  }
0xba: {  	s31 =	sshll.u32 s1, $0xD;
	s1 =	sshrl.u32 s1, $0x2  }
0xbb: {  	s3 =	sand.u32 $0x4000, s31;
	s1 =	sadd.s32 s1, s30  }
0xbc: {  	s0 =	sor.u32 s3, s0;
	s1 =	sshll.u32 s1, $0x11  }
0xbd: {  	s0 =	sor.u32 s1, s0  }
0xbe: {  	s0 =	sadd.s32 $0x8F2B, s0  }
0xbf: {  	[sflag:s0] =	ssyncadd.remote.s32 $0x1  }
0xc0: {  	_ =	sfence.sel $0xFFFF  }
0xc1: {  	[dreg:$0x0] =	wrdreg $0xFFFFFFFF;
	(pc) =	sbr.abs _section_cstart, $3  }
0xc2: {  	[dreg:$0x1] =	wrdreg $0xFFFFFFFF  }
0xc3: {  	_ =	task.clear_ibuf [dreg:s8], $0x2FFFF;
	_ =	strace $0x9FFFFFFF  }
0xc4: {  	(tm) =	ssettm $0x7FFFFFFF  }
0xc5: {  	_ =	shalt  }
tec
execute0_lowered:
.L_overlay_start_1:
0x0: {  	(tag) =	ssettag $0x1  }
0x1: {  	s5 =	rddreg [dreg:$0x0]  }
0x2: {  	s2 =	rddreg [dreg:$0x1];
	s1 =	srdreg.scid  }
0x3: {  	s0 =	stileid.u32;
	s3 =	rddreg [dreg:$0x2];
	s4 =	simm.s32 $0x0  }
0x4: {  	s11 =	simm.s32 $0xC00;
	s12 =	simm.s32 $0x80;
	s13 =	simm.s32 $0x1800  }
0x5: {  	s14 =	simm.s32 $0x5800;
	s15 =	simm.s32 $0x1;
	s16 =	simm.s32 $0x2  }
0x6: {  	s17 =	simm.s32 $0x9B00;
	s6 =	sand.u32 $0x1, s1;
	s7 =	sshll.u32 s0, $0x1  }
0x7: {  	s18 =	simm.s32 $0x0;
	s1 =	rddreg [dreg:$0x3];
	s7 =	sor.u32 s6, s7  }
0x8: {  	[smem:$0x7FF] =	sst s4;
	s6 =	ssub.s32 $0x2, s6;
	s8 =	smul.u32 $0x180, s7  }
0x9: {  	_ =	strace $0x80000047;
	s9 =	sshll.u32 s7, $0x4;
	s31 =	sshrl.u32 s6, $0x1  }
0xa: {  	s7 =	smul.u32 $0xA80, s7;
	s9 =	sadd.s32 s9, s5;
	s8 =	sadd.s32 s8, s5  }
0xb: {  	s10 =	ssub.s32 s6, s31;
	s5 =	sadd.s32 $0x3400, s8;
	s6 =	sadd.s32 $0x400, s8  }
0xc: {  	vm0 =	vcmask $0x3F3C;
	s8 =	sadd.s32 $0x6400, s9;
	s9 =	smax.u32 s10, $0x1;
	s10 =	simm.s32 $0x3  }
.LBB2_1:
0xd: {  	[tilespmem:s4], [sflag:$0x3] =	stream.linear.gather [hbm4b:s5+s4], $0xA80, $0x38;
	[tilespmem:$0x9B80] =	vst v63  }
0xe: {  	_ =	swait.ge [sflag:s10], $0xA80  }
0xf: {  	[sflag:s10] =	ssyncset.done $0x0  }
0x10: {  	[sflag:s10] =	ssyncadd.s32 $0xFFFFF580  }
0x11: {  	[tilespmem:s11], [sflag:$0x3] =	stream.linear.gather [hbm4b:s6+s4], $0xA80, $0x38;
	[tilespmem:$0x9B80] =	vst v63  }
0x12: {  	_ =	swait.ge [sflag:s10], $0xA80  }
0x13: {  	[sflag:s10] =	ssyncset.done $0x0  }
0x14: {  	v0 =	vimm.f32 $0.0e+00;
	s19 =	simm.s32 $0x0;
	[sflag:s10] =	ssyncadd.s32 $0xFFFFF580  }
.LBB2_2:
0x15: {  	s20 =	sshll.u32 s19, $0x7  }
0x16: {  	[tilespmem:s13], [sflag:$0x1] =	stream.indirect.gather [hbm4b:s2+s12], $0x80, s20, s12, $0xb8;
	[tilespmem:$0x9B80] =	vst v63  }
0x17: {  	s21 =	sadd.s32 $0xC00, s20  }
0x18: {  	[tilespmem:s14], [sflag:$0x2] =	stream.indirect.gather [hbm4b:s3+s12], $0x80, s21, s12, $0xb8;
	[tilespmem:$0x9B80] =	vst v63  }
0x19: {  	_ =	swait.ge [sflag:s15], $0x4000  }
0x1a: {  	[sflag:s15] =	ssyncset.done $0x0  }
0x1b: {  	[sflag:s15] =	ssyncadd.s32 $0xFFFFC000  }
0x1c: {  	s22 =	simm.s32 $0x9A01;
	s23 =	simm.s32 $0x9901;
	_ =	swait.ge [sflag:s16], $0x4000  }
0x1d: {  	s24 =	simm.s32 $0x9801;
	s25 =	simm.s32 $0x5880;
	[sflag:s16] =	ssyncset.done $0x0  }
0x1e: {  	s26 =	simm.s32 $0x1880;
	s21 =	simm.s32 $0xFFFFFFFE;
	[sflag:s16] =	ssyncadd.s32 $0xFFFFC000  }
.LBB2_3:
0x1f: {  	v1 =	vld [tilespmem:s26+$0xFFFFFF80]  }
0x20: {  	v2 =	vld [tilespmem:s25+$0xFFFFFF80]  }
0x21: {  	v3 =	vld [tilespmem:s26+$0xFFFFFF90]  }
0x22: {  	v4 =	vld [tilespmem:s25+$0xFFFFFF90]  }
0x23: {  	v5 =	vld [tilespmem:s26+$0xFFFFFFA0]  }
0x24: {  	v6 =	vld [tilespmem:s25+$0xFFFFFFA0]  }
0x25: {  	v8 =	vld [tilespmem:s26+$0xFFFFFFB0]  }
0x26: {  	v9 =	vld [tilespmem:s25+$0xFFFFFFB0];
	v7 =	vmul.f32 v2, v1  }
0x27: {  	v1 =	vmul.f32 v1, v1;
	v2 =	vmul.f32 v2, v2  }
0x28: {  	v11 =	vld [tilespmem:s26+$0xFFFFFFC0];
	v10 =	vmul.f32 v4, v3;
	v3 =	vmul.f32 v3, v3;
	v7 =	vadd.f32 $0.0e+00, v7  }
0x29: {  	v12 =	vld [tilespmem:s25+$0xFFFFFFC0];
	v4 =	vmul.f32 v4, v4;
	v63 =	vmul.f32 v6, v5  }
0x2a: {  	v16 =	vld [tilespmem:s26+$0xFFFFFFD0];
	v1 =	vadd.f32 v3, v1;
	v3 =	vmul.f32 v5, v5;
	v7 =	vadd.f32 v10, v7  }
0x2b: {  	v19 =	vld [tilespmem:s25+$0xFFFFFFD0];
	v6 =	vmul.f32 v6, v6;
	v18 =	vmul.f32 v9, v8;
	v2 =	vadd.f32 v4, v2  }
0x2c: {  	v20 =	vld [tilespmem:s26+$0xFFFFFFE0];
	v1 =	vadd.f32 v3, v1;
	v3 =	vmul.f32 v8, v8;
	v17 =	vadd.f32 v63, v7  }
0x2d: {  	v22 =	vld [tilespmem:s25+$0xFFFFFFE0];
	v21 =	vmul.f32 v9, v9;
	v2 =	vadd.f32 v6, v2  }
0x2e: {  	v24 =	vld [tilespmem:s26+$0xFFFFFFF0];
	v1 =	vadd.f32 v3, v1;
	v3 =	vmul.f32 v12, v11;
	v5 =	vadd.f32 v18, v17  }
0x2f: {  	v26 =	vld [tilespmem:s25+$0xFFFFFFF0];
	v23 =	vmul.f32 v11, v11;
	v25 =	vmul.f32 v12, v12  }
0x30: {  	v27 =	vmul.f32 v19, v16;
	v2 =	vadd.f32 v21, v2;
	v3 =	vadd.f32 v3, v5  }
0x31: {  	v28 =	vmul.f32 v19, v19;
	v4 =	vmul.f32 v16, v16;
	v1 =	vadd.f32 v23, v1  }
0x32: {  	v29 =	vmul.f32 v22, v20;
	v2 =	vadd.f32 v25, v2;
	v3 =	vadd.f32 v27, v3  }
0x33: {  	v30 =	vmul.f32 v20, v20;
	v31 =	vmul.f32 v22, v22;
	v1 =	vadd.f32 v4, v1  }
0x34: {  	v32 =	vmul.f32 v26, v24;
	v2 =	vadd.f32 v28, v2;
	v3 =	vadd.f32 v29, v3  }
0x35: {  	v33 =	vmul.f32 v24, v24;
	v1 =	vadd.f32 v30, v1  }
0x36: {  	v34 =	vmul.f32 v26, v26;
	v2 =	vadd.f32 v31, v2;
	v3 =	vadd.f32 v32, v3  }
0x37: {  	v1 =	vadd.f32 v33, v1  }
0x38: {  	v2 =	vadd.f32 v34, v2;
	(xrf2) =	vadd.scan.msk.f32 $0xffff, v3  }
0x39: {  	(xrf2) =	vadd.scan.msk.f32 $0xffff, v1  }
0x3a: {  	(xrf2) =	vadd.scan.msk.f32 $0xffff, v2;
	_ =	sdelay $0x7  }
0x3b: {  	v1, _, _ =	vpop (xrf2)  }
0x3c: {  	[tilespmem:s24+$0xFFFFFFFF] =	vst.msk vm0, v1;
	v1, _, _ =	vpop (xrf2)  }
0x3d: {  	[tilespmem:s23+$0xFFFFFFFF] =	vst.msk vm0, v1;
	v1, _, _ =	vpop (xrf2)  }
0x3e: {  	[tilespmem:s22+$0xFFFFFFFF] =	vst.msk vm0, v1  }
0x3f: {  	v1 =	vld [tilespmem:s26+$0x0]  }
0x40: {  	v2 =	vld [tilespmem:s25+$0x0]  }
0x41: {  	v3 =	vld [tilespmem:s26+$0x10]  }
0x42: {  	v35 =	vld [tilespmem:s25+$0x10]  }
0x43: {  	v36 =	vld [tilespmem:s26+$0x20]  }
0x44: {  	v37 =	vld [tilespmem:s25+$0x20]  }
0x45: {  	v39 =	vld [tilespmem:s26+$0x30]  }
0x46: {  	v40 =	vld [tilespmem:s25+$0x30];
	v38 =	vmul.f32 v2, v1  }
0x47: {  	v1 =	vmul.f32 v1, v1;
	v2 =	vmul.f32 v2, v2  }
0x48: {  	v42 =	vld [tilespmem:s26+$0x40];
	v41 =	vmul.f32 v35, v3;
	v3 =	vmul.f32 v3, v3;
	v7 =	vadd.f32 $0.0e+00, v38  }
0x49: {  	v44 =	vld [tilespmem:s25+$0x40];
	v4 =	vmul.f32 v35, v35;
	v43 =	vmul.f32 v37, v36  }
0x4a: {  	v45 =	vld [tilespmem:s26+$0x50];
	v1 =	vadd.f32 v3, v1;
	v3 =	vmul.f32 v36, v36;
	v7 =	vadd.f32 v41, v7  }
0x4b: {  	v48 =	vld [tilespmem:s25+$0x50];
	v6 =	vmul.f32 v37, v37;
	v47 =	vmul.f32 v40, v39;
	v2 =	vadd.f32 v4, v2  }
0x4c: {  	v49 =	vld [tilespmem:s26+$0x60];
	v1 =	vadd.f32 v3, v1;
	v3 =	vmul.f32 v39, v39;
	v46 =	vadd.f32 v43, v7  }
0x4d: {  	v51 =	vld [tilespmem:s25+$0x60];
	v50 =	vmul.f32 v40, v40;
	v2 =	vadd.f32 v6, v2  }
0x4e: {  	v53 =	vld [tilespmem:s26+$0x70];
	v1 =	vadd.f32 v3, v1;
	v3 =	vmul.f32 v44, v42;
	v5 =	vadd.f32 v47, v46  }
0x4f: {  	v55 =	vld [tilespmem:s25+$0x70];
	v52 =	vmul.f32 v42, v42;
	v54 =	vmul.f32 v44, v44  }
0x50: {  	v56 =	vmul.f32 v48, v45;
	v2 =	vadd.f32 v50, v2;
	v3 =	vadd.f32 v3, v5  }
0x51: {  	v57 =	vmul.f32 v48, v48;
	v4 =	vmul.f32 v45, v45;
	v1 =	vadd.f32 v52, v1  }
0x52: {  	v58 =	vmul.f32 v51, v49;
	v2 =	vadd.f32 v54, v2;
	v3 =	vadd.f32 v56, v3  }
0x53: {  	v59 =	vmul.f32 v49, v49;
	v60 =	vmul.f32 v51, v51;
	v1 =	vadd.f32 v4, v1  }
0x54: {  	v61 =	vmul.f32 v55, v53;
	v2 =	vadd.f32 v57, v2;
	v3 =	vadd.f32 v58, v3  }
0x55: {  	v62 =	vmul.f32 v53, v53;
	v1 =	vadd.f32 v59, v1  }
0x56: {  	v63 =	vmul.f32 v55, v55;
	v2 =	vadd.f32 v60, v2;
	v3 =	vadd.f32 v61, v3  }
0x57: {  	v1 =	vadd.f32 v62, v1  }
0x58: {  	v2 =	vadd.f32 v63, v2;
	(xrf2) =	vadd.scan.msk.f32 $0xffff, v3  }
0x59: {  	(xrf2) =	vadd.scan.msk.f32 $0xffff, v1  }
0x5a: {  	(xrf2) =	vadd.scan.msk.f32 $0xffff, v2;
	_ =	sdelay $0x4  }
0x5b: {  	s21 =	sadd.s32 $0x2, s21  }
0x5c: {  	p0 =	slt.u32 s21, $0x7E  }
.Ltmp0:
0x5d: {  	_ = 	snop;
	(pc) =	sbr.rel @p0 .LBB2_3-.Ltmp0, $4  }
0x5e: {  	v1, _, _ =	vpop (xrf2)  }
0x5f: {  	v2, _, _ =	vpop (xrf2);
	[tilespmem:s24+$0x0] =	vst.msk vm0, v1  }
0x60: {  	s25 =	sadd.s32 $0x100, s25;
	s26 =	sadd.s32 $0x100, s26;
	[tilespmem:s23+$0x0] =	vst.msk vm0, v2;
	v1, _, _ =	vpop (xrf2)  }
0x61: {  	s24 =	sadd.s32 $0x2, s24;
	s23 =	sadd.s32 $0x2, s23;
	[tilespmem:s22+$0x0] =	vst.msk vm0, v1;
	s22 =	sadd.s32 $0x2, s22  }
0x62: {  	v1 =	vld [tilespmem:$0x9900];
	_ =	sdelay $0x4  }
0x63: {  	v1 =	vmax.f32 v1, $1.000000020e-16  }
0x64: {  	v2 =	vshra.s32 v1, $0x1;
	v1 =	vmul.f32 $5.000000000e-01, v1  }
0x65: {  	v2 =	vsub.s32 $0x5F3759DF, v2  }
0x66: {  	v3 =	vmul.f32 v2, v1;
	_ =	sdelay $0x1  }
0x67: {  	v3 =	vmul.f32 v2, v3;
	_ =	sdelay $0x1  }
0x68: {  	v4 =	vld [tilespmem:$0x9A00];
	v3 =	vsub.f32 $1.500000000e+00, v3;
	_ =	sdelay $0x1  }
0x69: {  	v2 =	vmul.f32 v2, v3;
	_ =	sdelay $0x1  }
0x6a: {  	v3 =	vmul.f32 v2, v1  }
0x6b: {  	v4 =	vmax.f32 v4, $1.000000020e-16  }
0x6c: {  	v5 =	vshra.s32 v4, $0x1;
	v4 =	vmul.f32 $5.000000000e-01, v4;
	v3 =	vmul.f32 v3, v2  }
0x6d: {  	v6 =	vld [tilespmem:$0x9910];
	v5 =	vsub.s32 $0x5F3759DF, v5  }
0x6e: {  	v7 =	vmul.f32 v5, v4;
	v3 =	vsub.f32 $1.500000000e+00, v3;
	_ =	sdelay $0x1  }
0x6f: {  	v2 =	vmul.f32 v3, v2;
	v3 =	vmul.f32 v5, v7;
	_ =	sdelay $0x1  }
0x70: {  	v6 =	vmax.f32 v6, $1.000000020e-16;
	v27 =	vmul.f32 v2, v1;
	v3 =	vsub.f32 $1.500000000e+00, v3  }
0x71: {  	v8 =	vshra.s32 v6, $0x1;
	v6 =	vmul.f32 $5.000000000e-01, v6  }
0x72: {  	v28 =	vsub.s32 $0x5F3759DF, v8;
	v7 =	vmul.f32 v27, v2;
	v3 =	vmul.f32 v5, v3  }
0x73: {  	v10 =	vld [tilespmem:$0x9A10];
	v8 =	vmul.f32 v28, v6  }
0x74: {  	v7 =	vsub.f32 $1.500000000e+00, v7;
	v9 =	vmul.f32 v3, v4  }
0x75: {  	v29 =	vmul.f32 v28, v8  }
0x76: {  	v2 =	vmul.f32 v7, v2;
	v30 =	vmul.f32 v9, v3  }
0x77: {  	v7 =	vsub.f32 $1.500000000e+00, v29  }
0x78: {  	v31 =	vmax.f32 v10, $1.000000020e-16;
	v1 =	vmul.f32 v2, v1;
	v8 =	vsub.f32 $1.500000000e+00, v30  }
0x79: {  	v33 =	vshra.s32 v31, $0x1;
	v5 =	vmul.f32 v28, v7;
	v7 =	vmul.f32 $5.000000000e-01, v31  }
0x7a: {  	v1 =	vmul.f32 v1, v2;
	v3 =	vmul.f32 v8, v3;
	v8 =	vsub.s32 $0x5F3759DF, v33  }
0x7b: {  	v11 =	vld [tilespmem:$0x9920];
	v13 =	vmul.f32 v8, v7  }
0x7c: {  	v34 =	vmul.f32 v5, v6;
	v1 =	vsub.f32 $1.500000000e+00, v1  }
0x7d: {  	v12 =	vmul.f32 v3, v4;
	v36 =	vmul.f32 v8, v13  }
0x7e: {  	v1 =	vmul.f32 v1, v2;
	v2 =	vmul.f32 v34, v5  }
0x7f: {  	v40 =	vld [tilespmem:$0x9A20];
	v35 =	vmul.f32 v12, v3  }
0x80: {  	v11 =	vmax.f32 v11, $1.000000020e-16;
	v38 =	vsub.f32 $1.500000000e+00, v36;
	v2 =	vsub.f32 $1.500000000e+00, v2  }
0x81: {  	v39 =	vshra.s32 v11, $0x1;
	v11 =	vmul.f32 $5.000000000e-01, v11;
	v37 =	vsub.f32 $1.500000000e+00, v35  }
0x82: {  	v8 =	vmul.f32 v8, v38;
	v2 =	vmul.f32 v2, v5;
	v5 =	vsub.s32 $0x5F3759DF, v39  }
0x83: {  	v32 =	vld [tilespmem:$0x9800];
	v3 =	vmul.f32 v37, v3;
	v42 =	vmul.f32 v5, v11  }
0x84: {  	v9 =	vmax.f32 v40, $1.000000020e-16;
	v43 =	vmul.f32 v8, v7;
	v41 =	vmul.f32 v2, v6  }
0x85: {  	v45 =	vld [tilespmem:$0x9930];
	v14 =	vshra.s32 v9, $0x1;
	v4 =	vmul.f32 v3, v4;
	v12 =	vmul.f32 v5, v42  }
0x86: {  	v9 =	vmul.f32 $5.000000000e-01, v9;
	v44 =	vsub.s32 $0x5F3759DF, v14;
	v13 =	vmul.f32 v43, v8  }
0x87: {  	v10 =	vmul.f32 v41, v2;
	v4 =	vmul.f32 v4, v3;
	v12 =	vsub.f32 $1.500000000e+00, v12  }
0x88: {  	v46 =	vmul.f32 v44, v9;
	v1 =	vmul.f32 v1, v32;
	v13 =	vsub.f32 $1.500000000e+00, v13  }
0x89: {  	v10 =	vsub.f32 $1.500000000e+00, v10;
	v4 =	vsub.f32 $1.500000000e+00, v4;
	v5 =	vmul.f32 v5, v12  }
0x8a: {  	v8 =	vmul.f32 v13, v8;
	v13 =	vmul.f32 v44, v46;
	v12 =	vmax.f32 v45, $1.000000020e-16  }
0x8b: {  	v2 =	vmul.f32 v10, v2;
	v16 =	vshra.s32 v12, $0x1;
	v12 =	vmul.f32 $5.000000000e-01, v12  }
0x8c: {  	v47 =	vmul.f32 v5, v11;
	v15 =	vmul.f32 v8, v7  }
0x8d: {  	v3 =	vmul.f32 v4, v3;
	v13 =	vsub.f32 $1.500000000e+00, v13;
	v6 =	vmul.f32 v2, v6  }
0x8e: {  	v48 =	vsub.s32 $0x5F3759DF, v16;
	v14 =	vmul.f32 v47, v5;
	v15 =	vmul.f32 v15, v8  }
0x8f: {  	v61 =	vld [tilespmem:$0x9A40];
	v49 =	vmul.f32 v48, v12;
	v10 =	vmul.f32 v44, v13  }
0x90: {  	v3 =	vmul.f32 v3, v1;
	v14 =	vsub.f32 $1.500000000e+00, v14;
	v15 =	vsub.f32 $1.500000000e+00, v15  }
0x91: {  	v6 =	vmul.f32 v6, v2;
	v50 =	vmul.f32 v10, v9  }
0x92: {  	v5 =	vmul.f32 v14, v5;
	v8 =	vmul.f32 v15, v8  }
0x93: {  	v51 =	vld [tilespmem:$0x9810];
	v6 =	vsub.f32 $1.500000000e+00, v6;
	v14 =	vmul.f32 v48, v49;
	v15 =	vmul.f32 v50, v10  }
0x94: {  	v23 =	vmax.f32 v61, $1.000000020e-16;
	v17 =	vmul.f32 v5, v11;
	v7 =	vmul.f32 v8, v7  }
0x95: {  	v2 =	vmul.f32 v6, v2;
	v14 =	vsub.f32 $1.500000000e+00, v14;
	v53 =	vsub.f32 $1.500000000e+00, v15  }
0x96: {  	v54 =	vld [tilespmem:$0x9A30];
	v25 =	vshra.s32 v23, $0x1;
	v17 =	vmul.f32 v17, v5;
	v52 =	vmul.f32 v7, v8  }
0x97: {  	v26 =	vsub.s32 $0x5F3759DF, v25;
	v13 =	vmul.f32 v48, v14;
	v7 =	vmul.f32 v53, v10  }
0x98: {  	v2 =	vmul.f32 v2, v51;
	v14 =	vmul.f32 $5.000000000e-01, v23;
	v55 =	vsub.f32 $1.500000000e+00, v17  }
0x99: {  	v6 =	vsub.f32 $1.500000000e+00, v52;
	v56 =	vmul.f32 v13, v12;
	v57 =	vmul.f32 v7, v9  }
0x9a: {  	v60 =	vld [tilespmem:$0x9940];
	v17 =	vmul.f32 v26, v14;
	v4 =	vmul.f32 v55, v5  }
0x9b: {  	v59 =	vmax.f32 v54, $1.000000020e-16;
	v6 =	vmul.f32 v6, v8;
	v5 =	vmul.f32 v56, v13  }
0x9c: {  	v15 =	vshra.s32 v59, $0x1;
	v8 =	vmul.f32 v57, v7;
	v58 =	vmul.f32 v4, v11  }
0x9d: {  	v15 =	vsub.s32 $0x5F3759DF, v15;
	v11 =	vmul.f32 $5.000000000e-01, v59;
	v5 =	vsub.f32 $1.500000000e+00, v5  }
0x9e: {  	v17 =	vmul.f32 v26, v17;
	v8 =	vsub.f32 $1.500000000e+00, v8;
	v10 =	vmul.f32 v58, v4  }
0x9f: {  	v20 =	vmax.f32 v60, $1.000000020e-16;
	v62 =	vmul.f32 v15, v11;
	v5 =	vmul.f32 v5, v13  }
0xa0: {  	v22 =	vshra.s32 v20, $0x1;
	v63 =	vmul.f32 v8, v7;
	v8 =	vmul.f32 $5.000000000e-01, v20  }
0xa1: {  	v18 =	vld [tilespmem:$0x9820];
	v13 =	vsub.s32 $0x5F3759DF, v22;
	v19 =	vmul.f32 v15, v62;
	v21 =	vmul.f32 v5, v12  }
0xa2: {  	v30 =	vld [tilespmem:$0x9950];
	v1 =	vmul.f32 v6, v2;
	v2 =	vsub.f32 $1.500000000e+00, v10;
	v24 =	vmul.f32 v13, v8  }
0xa3: {  	v9 =	vmul.f32 v63, v9;
	v7 =	vsub.f32 $1.500000000e+00, v19;
	v10 =	vmul.f32 v21, v5  }
0xa4: {  	v16 =	vmul.f32 v13, v24;
	v2 =	vmul.f32 v2, v4  }
0xa5: {  	v31 =	vsub.f32 $1.500000000e+00, v17;
	v9 =	vmul.f32 v9, v63;
	v7 =	vmul.f32 v15, v7  }
0xa6: {  	v27 =	vsub.f32 $1.500000000e+00, v10;
	v16 =	vsub.f32 $1.500000000e+00, v16;
	v2 =	vmul.f32 v2, v18  }
0xa7: {  	v15 =	vmul.f32 v26, v31;
	v9 =	vsub.f32 $1.500000000e+00, v9;
	v10 =	vmax.f32 v30, $1.000000020e-16  }
0xa8: {  	v35 =	vshra.s32 v10, $0x1;
	v10 =	vmul.f32 $5.000000000e-01, v10;
	v28 =	vmul.f32 v7, v11  }
0xa9: {  	v38 =	vld [tilespmem:$0x9A50];
	v4 =	vmul.f32 v27, v5;
	v13 =	vmul.f32 v13, v16  }
0xaa: {  	v16 =	vmul.f32 v15, v14;
	v6 =	vmul.f32 v9, v63  }
0xab: {  	v50 =	vsub.f32 $1.000000000e+00, v3;
	v29 =	vmul.f32 v28, v7;
	v12 =	vmul.f32 v4, v12  }
0xac: {  	v18 =	vsub.s32 $0x5F3759DF, v35;
	v32 =	vmul.f32 v13, v8;
	v16 =	vmul.f32 v16, v15  }
0xad: {  	v19 =	vmul.f32 v18, v10;
	v5 =	vsub.f32 $1.500000000e+00, v29;
	v12 =	vmul.f32 v12, v4  }
0xae: {  	v33 =	vmul.f32 v32, v13;
	v36 =	vsub.f32 $1.500000000e+00, v16;
	v16 =	vmax.f32 v38, $1.000000020e-16  }
0xaf: {  	v39 =	vmul.f32 v18, v19;
	v44 =	vshra.s32 v16, $0x1;
	v5 =	vmul.f32 v5, v7  }
0xb0: {  	v16 =	vmul.f32 $5.000000000e-01, v16;
	v7 =	vsub.f32 $1.500000000e+00, v33;
	v12 =	vsub.f32 $1.500000000e+00, v12  }
0xb1: {  	v41 =	vsub.f32 $1.500000000e+00, v39;
	v9 =	vmul.f32 v36, v15;
	v34 =	vmul.f32 v5, v11  }
0xb2: {  	v3 =	vadd.f32 $-1.000000000e+00, v3;
	v7 =	vmul.f32 v7, v13;
	v4 =	vmul.f32 v12, v4  }
0xb3: {  	s20 =	sadd.s32 s7, s20;
	v47 =	vsub.s32 $0x5F3759DF, v44;
	v15 =	vmul.f32 v9, v14;
	v12 =	vmul.f32 v18, v41  }
0xb4: {  	p0 =	slt.u32 s20, $0x1000;
	v3 =	vmax.f32 v3, $0.0e+00;
	v57 =	vld [tilespmem:$0x9A60];
	v18 =	vmul.f32 v47, v16;
	v40 =	vmul.f32 v7, v8  }
0xb5: {  	v45 =	vld [tilespmem:$0x9830];
	v3 =	vpsel p0, v50, v3;
	v17 =	vmul.f32 v34, v5;
	v15 =	vmul.f32 v15, v9  }
0xb6: {  	v0 =	vadd.f32 v3, v0;
	v43 =	vmul.f32 v12, v10;
	v42 =	vmul.f32 v40, v7  }
0xb7: {  	v2 =	vmul.f32 v6, v2;
	v37 =	vsub.f32 $1.500000000e+00, v17;
	v46 =	vsub.f32 $1.500000000e+00, v15  }
0xb8: {  	v55 =	vld [tilespmem:$0x9960];
	v49 =	vmul.f32 v47, v18;
	v17 =	vmul.f32 v43, v12;
	v13 =	vsub.f32 $1.500000000e+00, v42  }
0xb9: {  	v21 =	vmax.f32 v57, $1.000000020e-16;
	v5 =	vmul.f32 v37, v5;
	v9 =	vmul.f32 v46, v9  }
0xba: {  	v4 =	vmul.f32 v4, v45;
	v48 =	vsub.f32 $1.500000000e+00, v17;
	v7 =	vmul.f32 v13, v7  }
0xbb: {  	v60 =	vld [tilespmem:$0x9970];
	v52 =	vsub.f32 $1.500000000e+00, v49;
	v11 =	vmul.f32 v5, v11;
	v14 =	vmul.f32 v9, v14  }
0xbc: {  	v23 =	vshra.s32 v21, $0x1;
	v12 =	vmul.f32 v48, v12;
	v8 =	vmul.f32 v7, v8  }
0xbd: {  	v19 =	vmax.f32 v55, $1.000000020e-16;
	v13 =	vmul.f32 v47, v52;
	v11 =	vmul.f32 v11, v5  }
0xbe: {  	v51 =	vld [tilespmem:$0x9840];
	v20 =	vshra.s32 v19, $0x1;
	v14 =	vmul.f32 v14, v9;
	v8 =	vmul.f32 v8, v7  }
0xbf: {  	v22 =	vld [tilespmem:$0x9A70];
	v53 =	vmul.f32 v12, v10;
	v15 =	vmul.f32 v13, v16;
	v11 =	vsub.f32 $1.500000000e+00, v11  }
0xc0: {  	v54 =	vsub.f32 $1.500000000e+00, v14;
	v14 =	vmax.f32 v60, $1.000000020e-16;
	v8 =	vsub.f32 $1.500000000e+00, v8  }
0xc1: {  	v56 =	vmul.f32 v53, v12;
	v26 =	vshra.s32 v14, $0x1;
	v14 =	vmul.f32 $5.000000000e-01, v14  }
0xc2: {  	v59 =	vmul.f32 v15, v13;
	v28 =	vsub.s32 $0x5F3759DF, v26;
	v7 =	vmul.f32 v8, v7  }
0xc3: {  	v5 =	vmul.f32 v11, v5;
	v58 =	vsub.f32 $1.500000000e+00, v56;
	v18 =	vmul.f32 v28, v14  }
0xc4: {  	v11 =	vmax.f32 v22, $1.000000020e-16;
	v8 =	vmul.f32 v54, v9;
	v7 =	vmul.f32 v7, v51  }
0xc5: {  	v29 =	vshra.s32 v11, $0x1;
	v11 =	vmul.f32 $5.000000000e-01, v11;
	v3 =	vmul.f32 v5, v4  }
0xc6: {  	v63 =	vsub.f32 $1.500000000e+00, v59;
	v61 =	vmul.f32 v8, v7;
	v7 =	vmul.f32 $5.000000000e-01, v19  }
0xc7: {  	v62 =	vmul.f32 v58, v12;
	v9 =	vmul.f32 $5.000000000e-01, v21;
	v8 =	vsub.s32 $0x5F3759DF, v20  }
0xc8: {  	v12 =	vsub.s32 $0x5F3759DF, v23;
	v6 =	vmul.f32 v63, v13;
	v24 =	vmul.f32 v8, v7  }
0xc9: {  	v18 =	vmul.f32 v28, v18;
	v25 =	vmul.f32 v12, v9  }
0xca: {  	v10 =	vmul.f32 v62, v10;
	v27 =	vmul.f32 v8, v24  }
0xcb: {  	v32 =	vmul.f32 v6, v16;
	v17 =	vmul.f32 v12, v25;
	v19 =	vsub.s32 $0x5F3759DF, v29  }
0xcc: {  	v31 =	vsub.f32 $1.500000000e+00, v18;
	v30 =	vmul.f32 v19, v11;
	v13 =	vsub.f32 $1.500000000e+00, v27  }
0xcd: {  	v20 =	vadd.f32 $-1.000000000e+00, v1;
	v10 =	vmul.f32 v10, v62;
	v17 =	vsub.f32 $1.500000000e+00, v17  }
0xce: {  	s21 =	sor.u32 $0x10, s20;
	v1 =	vsub.f32 $1.000000000e+00, v1;
	v8 =	vmul.f32 v8, v13;
	v13 =	vmul.f32 v19, v30  }
0xcf: {  	p6 =	slt.u32 s21, $0x1000;
	v15 =	vmul.f32 v28, v31;
	v20 =	vmax.f32 v20, $0.0e+00;
	v12 =	vmul.f32 v12, v17  }
0xd0: {  	v1 =	vpsel p6, v1, v20;
	v33 =	vmul.f32 v8, v7;
	v13 =	vsub.f32 $1.500000000e+00, v13  }
0xd1: {  	v0 =	vadd.f32 v1, v0;
	v1 =	vmul.f32 v15, v14;
	v34 =	vmul.f32 v12, v9  }
0xd2: {  	v39 =	vadd.f32 $-1.000000000e+00, v2;
	v17 =	vmul.f32 v33, v8;
	v13 =	vmul.f32 v19, v13  }
0xd3: {  	v10 =	vsub.f32 $1.500000000e+00, v10;
	v1 =	vmul.f32 v1, v15;
	v35 =	vmul.f32 v34, v12  }
0xd4: {  	v18 =	vmul.f32 v32, v6;
	v17 =	vsub.f32 $1.500000000e+00, v17;
	v36 =	vmul.f32 v13, v11  }
0xd5: {  	v5 =	vmul.f32 v10, v62;
	v1 =	vsub.f32 $1.500000000e+00, v1;
	v37 =	vsub.f32 $1.500000000e+00, v35  }
0xd6: {  	v18 =	vsub.f32 $1.500000000e+00, v18;
	v8 =	vmul.f32 v17, v8;
	v38 =	vmul.f32 v36, v13  }
0xd7: {  	v2 =	vsub.f32 $1.000000000e+00, v2;
	v1 =	vmul.f32 v1, v15;
	v10 =	vmul.f32 v37, v12  }
0xd8: {  	v41 =	vld [tilespmem:$0x9850];
	v6 =	vmul.f32 v18, v6;
	v40 =	vmul.f32 v8, v7;
	v42 =	vsub.f32 $1.500000000e+00, v38  }
0xd9: {  	v50 =	vadd.f32 $-1.000000000e+00, v3;
	v45 =	vmul.f32 v1, v14;
	v44 =	vmul.f32 v10, v9  }
0xda: {  	v3 =	vsub.f32 $1.000000000e+00, v3;
	v43 =	vmul.f32 v40, v8;
	v13 =	vmul.f32 v42, v13  }
0xdb: {  	v18 =	vmax.f32 v39, $0.0e+00;
	v15 =	vmul.f32 v45, v1;
	v19 =	vmul.f32 v44, v10  }
0xdc: {  	s26 =	sor.u32 $0x20, s20;
	v16 =	vmul.f32 v6, v16;
	v17 =	vsub.f32 $1.500000000e+00, v43;
	v46 =	vmul.f32 v13, v11  }
0xdd: {  	p1 =	slt.u32 s26, $0x1000;
	v5 =	vmul.f32 v5, v41;
	v15 =	vsub.f32 $1.500000000e+00, v15;
	v47 =	vsub.f32 $1.500000000e+00, v19  }
0xde: {  	v2 =	vpsel p1, v2, v18;
	v8 =	vmul.f32 v17, v8;
	v48 =	vmul.f32 v46, v13  }
0xdf: {  	v0 =	vadd.f32 v2, v0;
	v1 =	vmul.f32 v15, v1;
	v2 =	vmul.f32 v47, v10  }
0xe0: {  	v16 =	vmul.f32 v16, v6;
	v7 =	vmul.f32 v8, v7;
	v49 =	vsub.f32 $1.500000000e+00, v48  }
0xe1: {  	v56 =	vadd.f32 $-1.000000000e+00, v61;
	v14 =	vmul.f32 v1, v14;
	v9 =	vmul.f32 v2, v9  }
0xe2: {  	v4 =	vsub.f32 $1.000000000e+00, v61;
	v7 =	vmul.f32 v7, v8;
	v10 =	vmul.f32 v49, v13  }
0xe3: {  	s28 =	sor.u32 $0x30, s20;
	v51 =	vld [tilespmem:$0x9860];
	v16 =	vsub.f32 $1.500000000e+00, v16;
	v12 =	vmax.f32 v50, $0.0e+00;
	v52 =	vmul.f32 v14, v1  }
0xe4: {  	p2 =	slt.u32 s28, $0x1000;
	v55 =	vld [tilespmem:$0x9870];
	v9 =	vmul.f32 v9, v2;
	v7 =	vsub.f32 $1.500000000e+00, v7;
	v11 =	vmul.f32 v10, v11  }
0xe5: {  	v6 =	vmul.f32 v16, v6;
	v3 =	vpsel p2, v3, v12;
	v12 =	vsub.f32 $1.500000000e+00, v52  }
0xe6: {  	v54 =	vsub.f32 $1.500000000e+00, v9;
	v53 =	vmul.f32 v7, v8;
	v11 =	vmul.f32 v11, v10  }
0xe7: {  	s29 =	sor.u32 $0x40, s20;
	v57 =	vmax.f32 v56, $0.0e+00;
	v5 =	vmul.f32 v6, v5;
	v1 =	vmul.f32 v12, v1  }
0xe8: {  	p3 =	slt.u32 s29, $0x1000;
	v2 =	vmul.f32 v54, v2;
	v6 =	vmul.f32 v53, v51;
	v58 =	vsub.f32 $1.500000000e+00, v11  }
0xe9: {  	v0 =	vadd.f32 v3, v0;
	v3 =	vpsel p3, v4, v57;
	v1 =	vmul.f32 v1, v55  }
0xea: {  	v60 =	vadd.f32 $-1.000000000e+00, v5;
	v2 =	vmul.f32 v2, v6;
	v59 =	vmul.f32 v58, v10  }
0xeb: {  	s30 =	sor.u32 $0x50, s20;
	v0 =	vadd.f32 v3, v0;
	v3 =	vsub.f32 $1.000000000e+00, v5  }
0xec: {  	s19 =	sadd.s32 $0x1, s19;
	p4 =	slt.u32 s30, $0x1000;
	v61 =	vmax.f32 v60, $0.0e+00;
	v1 =	vmul.f32 v59, v1;
	v62 =	vadd.f32 $-1.000000000e+00, v2  }
0xed: {  	s31 =	sor.u32 $0x60, s20;
	p0 =	sne.s32 s19, $0x15;
	v3 =	vpsel p4, v3, v61;
	v2 =	vsub.f32 $1.000000000e+00, v2  }
.Ltmp1:
0xee: {  	p5 =	slt.u32 s31, $0x1000;
	v0 =	vadd.f32 v3, v0;
	v3 =	vmax.f32 v62, $0.0e+00;
	v63 =	vadd.f32 $-1.000000000e+00, v1;
	(pc) =	sbr.rel @p0 .LBB2_2-.Ltmp1, $4  }
0xef: {  	s20 =	sor.u32 $0x70, s20;
	v1 =	vsub.f32 $1.000000000e+00, v1;
	v2 =	vpsel p5, v2, v3  }
0xf0: {  	p6 =	slt.u32 s20, $0x1000;
	v0 =	vadd.f32 v2, v0;
	v2 =	vmax.f32 v63, $0.0e+00  }
0xf1: {  	v1 =	vpsel p6, v1, v2  }
0xf2: {  	v0 =	vadd.f32 v1, v0  }
0xf3: {  	s18 =	sadd.s32 $0x1, s18  }
0xf4: {  	p0 =	sne.s32 s18, s9  }
.Ltmp2:
0xf5: {  	[tilespmem:$0x9B00] =	vst v0;
	(pc) =	sbr.rel @p0 .LBB2_1-.Ltmp2, $4  }
0xf6: {  	[hbm4b:s8+s4] =	stream.linear.scatter [tilespmem:s17], [sflag:$0x3], $0x80, $0x38;
	[tilespmem:$0x9B80] =	vst v63  }
0xf7: {  	_ =	swait.ge [sflag:s10], $0x80  }
0xf8: {  	[sflag:s10] =	ssyncset.done $0x0  }
0xf9: {  	[sflag:s10] =	ssyncadd.s32 $0xFFFFFF80  }
0xfa: {  	_ =	sfence.sel $0x180000  }
0xfb: {  	[bflag:$0x0] =	sbarrier.arrive $0xFFFF  }
0xfc: {  	p0 =	sne.s32 s0, $0x0;
	_ =	strace $0x90000047  }
0xfd: {  	s0 =	sadd.s32 @!p0 $0x100000, s1;
	[bflag:$0x2] =	sbarrier.arrive $0xFFFF  }
0xfe: {  	[sflag:s0] =	ssyncadd.tile.s32 @!p0 $0x1;
	_ =	shalt  }
.Lfunc_end2:
_tile_overlayer_lowered:
.L_overlay_start_2:
0xff: {  	(tag) =	ssettag $0x2  }
0x100: {  	s0 =	rddreg [dreg:$0x0];
	s2 =	stileid.u32  }
0x101: {  	s1 =	rddreg [dreg:$0x1];
	p0 =	sne.s32 s2, $0x0  }
0x102: {  	s3 =	rddreg [dreg:$0x2];
	[bflag:$0x3] =	sbarrier.arrive $0xFFFF;
	s2 =	simm.s32 @!p0 $0x1C03  }
0x103: {  	[timem:s3], [sflag:s2] =	dma.local @!p0 [hbm:s0], s1  }
0x104: {  	s0 =	simm.s32 @!p0 $0x3  }
0x105: {  	_ =	swait.ge @!p0 [sflag:s0], s1  }
0x106: {  	s1 =	ssub.s32 @!p0 $0x0, s1;
	[sflag:s0] =	ssyncset.done @!p0 $0x0  }
0x107: {  	[sflag:s0] =	ssyncadd.s32 @!p0 s1  }
0x108: {  	[bflag:$0x3] =	sbarrier.arrive $0xFFFF  }
0x109: {  	_ =	shalt  }

</sc_bundles>
